<compile_context>
chip_gen: v7x
topology: tpu7x:2x2x1
jax: 0.10.2.dev20260603
libtpu: 0.0.44.dev20260713+nightly
codegen_flags: <defaults>
</compile_context>

<pallas_src>
import functools

import jax
import jax.numpy as jnp
from jax import lax
from jax.experimental import pallas as pl
from jax.experimental.pallas import tpu as pltpu
from jax.experimental.pallas import tpu_sc as plsc

B, S, D = 1024, 200, 128
N = B * S
NC, NS = 2, 16
NW = NC * NS
PER_W = N // NW
CHUNK = 128
STEPS = PER_W // CHUNK
NBUF = 5
OUTER = STEPS // NBUF
SKEW = 2

_mesh = plsc.VectorSubcoreMesh(core_axis_name="c", subcore_axis_name="s")


@functools.partial(
    pl.kernel,
    mesh=_mesh,
    out_type=jax.ShapeDtypeStruct((N, D), jnp.float32),
    scratch_types=[
        pltpu.VMEM((STEPS, CHUNK), jnp.int32),
        pltpu.VMEM((NBUF, CHUNK, D), jnp.float32),
    ]
    + [pltpu.SemaphoreType.DMA] * (2 * NBUF),
)
def _gather(idx_hbm, table_hbm, out_hbm, idx_v, bufs, *sems):
    gsem = sems[:NBUF]
    ssem = sems[NBUF:]
    wid = lax.axis_index("s") * NC + lax.axis_index("c")
    pltpu.sync_copy(idx_hbm.at[wid, pl.ds(0, 8)], idx_v.at[pl.ds(0, 8)])

    out_base = wid * PER_W

    for b in range(SKEW):
        pltpu.async_copy(table_hbm.at[idx_v.at[b]], bufs.at[b], gsem[b])

    pltpu.sync_copy(
        idx_hbm.at[wid, pl.ds(8, STEPS - 8)], idx_v.at[pl.ds(8, STEPS - 8)]
    )

    def outer(t, _):
        for b in range(NBUF):
            i = t * NBUF + b
            pltpu.make_async_copy(
                table_hbm.at[idx_v.at[i]], bufs.at[b], gsem[b]
            ).wait()
            pltpu.async_copy(
                bufs.at[b], out_hbm.at[pl.ds(out_base + i * CHUNK, CHUNK)], ssem[b]
            )
            nb = (b + SKEW) % NBUF
            n = i + SKEW

            @pl.when(n < STEPS)
            def _():
                @pl.when(n >= NBUF)
                def _():
                    pltpu.make_async_copy(
                        bufs.at[nb],
                        out_hbm.at[pl.ds(out_base + (n - NBUF) * CHUNK, CHUNK)],
                        ssem[nb],
                    ).wait()

                pltpu.async_copy(table_hbm.at[idx_v.at[n]], bufs.at[nb], gsem[nb])

        return 0

    lax.fori_loop(0, OUTER, outer, 0)

    for j in range(STEPS - NBUF + SKEW, STEPS):
        b = j % NBUF
        pltpu.make_async_copy(
            bufs.at[b], out_hbm.at[pl.ds(out_base + j * CHUNK, CHUNK)], ssem[b]
        ).wait()


def kernel(X_word, X_char, word_embed_W):
    del X_char
    idx2d = X_word.reshape(NW, STEPS, CHUNK)
    out = _gather(idx2d, word_embed_W)
    return out.reshape(B, S, D)

# --- scband reference (transcript-rebuilt; emitter-appended) ---
"""Pipeline reference for scband-word-rep-85194971283621 (READ-ONLY COPY).

The authoritative reference and input builder live on the scoring server;
editing this copy changes nothing except your own understanding.
"""

import jax, jax.numpy as jnp
import numpy as np

WORD_SIZE = 100000
DIM_WORD = 128
BATCH = 1024
SEQ = 200
CHAR_LEN = 16


def setup_inputs(seed: int = 0) -> dict:
    key = jax.random.key(seed)
    k1, k2, k3 = jax.random.split(key, 3)
    X_word = jax.random.randint(k1, (BATCH, SEQ), 0, WORD_SIZE, dtype=jnp.int32)
    X_char = jax.random.randint(k2, (BATCH, SEQ, CHAR_LEN), 0, 128, dtype=jnp.int32)
    # learned parameter: embedding table (stands in for loaded pretrained embeddings)
    word_embed_W = jax.random.normal(k3, (WORD_SIZE, DIM_WORD), dtype=jnp.float32) * 0.1
    return {"X_word": X_word, "X_char": X_char, "word_embed_W": word_embed_W}


def reference(X_word, X_char, word_embed_W):
    # char_cnn_flag == False branch: embedding lookup + dropout.
    # Dropout is identity at inference (eval mode), so it is omitted.
    # X_char is accepted but unused in this configuration, matching the torch forward.
    X = jnp.take(word_embed_W, X_word, axis=0)  # [B, S, D] gather
    return X

if __name__ == "__main__":
    import jax
    _d = setup_inputs()
    print(jax.jit(kernel)(*tuple(_d.values())))

</pallas_src>

<mosaic_0001>
#map = affine_map<(d0, d1) -> (0, 0, 0)>
#map1 = affine_map<(d0, d1) -> (0, 0)>
module attributes {stable_mosaic.version = 14 : i64} {
  func.func @_gather(%arg0: i32, %arg1: i32, %arg2: memref<32x50x128xi32, #tpu.memory_space<hbm>>, %arg3: memref<100000x128xf32, #tpu.memory_space<hbm>>, %arg4: memref<204800x128xf32, #tpu.memory_space<hbm>>, %arg5: memref<50x128xi32, #tpu.memory_space<vmem>>, %arg6: memref<5x128x128xf32, #tpu.memory_space<vmem>>, %arg7: memref<!tpu.dma_semaphore, #tpu.memory_space<semaphore_mem>>, %arg8: memref<!tpu.dma_semaphore, #tpu.memory_space<semaphore_mem>>, %arg9: memref<!tpu.dma_semaphore, #tpu.memory_space<semaphore_mem>>, %arg10: memref<!tpu.dma_semaphore, #tpu.memory_space<semaphore_mem>>, %arg11: memref<!tpu.dma_semaphore, #tpu.memory_space<semaphore_mem>>, %arg12: memref<!tpu.dma_semaphore, #tpu.memory_space<semaphore_mem>>, %arg13: memref<!tpu.dma_semaphore, #tpu.memory_space<semaphore_mem>>, %arg14: memref<!tpu.dma_semaphore, #tpu.memory_space<semaphore_mem>>, %arg15: memref<!tpu.dma_semaphore, #tpu.memory_space<semaphore_mem>>, %arg16: memref<!tpu.dma_semaphore, #tpu.memory_space<semaphore_mem>>) attributes {dimension_semantics = [#tpu.dimension_semantics<core_parallel>, #tpu.dimension_semantics<subcore_parallel>], iteration_bounds = array<i64: 2, 16>, scalar_prefetch = 0 : i64, scratch_operands = 12 : i64, tpu.core_type = #tpu.core_type<sc_vector_subcore>, window_params = [{transform_indices = #map}, {transform_indices = #map1}, {transform_indices = #map1}]} {
    %mul3A = arith.constant 2 : i32
    %mul3A_0 = arith.muli %arg1, %mul3A : i32
    %add3A = arith.addi %mul3A_0, %arg0 : i32
    "tpu.region"() ({
      %run_scoped3A = tpu.sem_alloc : memref<!tpu.dma_semaphore, #tpu.memory_space<semaphore_mem>>
      %dma_start3A_76 = arith.constant 0 : i32
      %dma_start3A_77 = arith.constant 0 : i32
      %dma_start3A_78 = tpu.memref_slice %arg5[%dma_start3A_76, %dma_start3A_77] : memref<50x128xi32, #tpu.memory_space<vmem>> -> memref<8x128xi32, #tpu.memory_space<vmem>>
      %dma_start3A_79 = arith.constant 0 : i32
      %dma_start3A_80 = arith.constant 0 : i32
      %dma_start3A_81 = tpu.memref_slice %arg2[%add3A, %dma_start3A_79, %dma_start3A_80] : memref<32x50x128xi32, #tpu.memory_space<hbm>> -> memref<1x8x128xi32, #tpu.memory_space<hbm>>
      %dma_start3A_82 = tpu.memref_squeeze %dma_start3A_81 : memref<1x8x128xi32, #tpu.memory_space<hbm>> -> memref<8x128xi32, #tpu.memory_space<hbm>>
      %dma_start3A_83 = arith.constant 0 : i32
      %dma_start3A_84 = arith.constant 0 : i32
      %dma_start3A_85 = tpu.memref_slice %arg5[%dma_start3A_83, %dma_start3A_84] : memref<50x128xi32, #tpu.memory_space<vmem>> -> memref<8x128xi32, #tpu.memory_space<vmem>>
      %dma_start3A_86 = arith.constant 0 : i32
      %dma_start3A_87 = arith.constant 0 : i32
      %dma_start3A_88 = tpu.memref_slice %arg2[%add3A, %dma_start3A_86, %dma_start3A_87] : memref<32x50x128xi32, #tpu.memory_space<hbm>> -> memref<1x8x128xi32, #tpu.memory_space<hbm>>
      %dma_start3A_89 = tpu.memref_squeeze %dma_start3A_88 : memref<1x8x128xi32, #tpu.memory_space<hbm>> -> memref<8x128xi32, #tpu.memory_space<hbm>>
      tpu.enqueue_dma source(%dma_start3A_89 : memref<8x128xi32, #tpu.memory_space<hbm>>) target(%dma_start3A_85 : memref<8x128xi32, #tpu.memory_space<vmem>>) target_semaphore(%run_scoped3A : memref<!tpu.dma_semaphore, #tpu.memory_space<semaphore_mem>>)
      %dma_wait3A_90 = arith.constant 0 : i32
      %dma_wait3A_91 = arith.constant 0 : i32
      %dma_wait3A_92 = tpu.memref_slice %arg5[%dma_wait3A_90, %dma_wait3A_91] : memref<50x128xi32, #tpu.memory_space<vmem>> -> memref<8x128xi32, #tpu.memory_space<vmem>>
      %dma_wait3A_93 = arith.constant 0 : i32
      %dma_wait3A_94 = arith.constant 0 : i32
      %dma_wait3A_95 = tpu.memref_slice %arg2[%add3A, %dma_wait3A_93, %dma_wait3A_94] : memref<32x50x128xi32, #tpu.memory_space<hbm>> -> memref<1x8x128xi32, #tpu.memory_space<hbm>>
      %dma_wait3A_96 = tpu.memref_squeeze %dma_wait3A_95 : memref<1x8x128xi32, #tpu.memory_space<hbm>> -> memref<8x128xi32, #tpu.memory_space<hbm>>
      %dma_wait3A_97 = arith.constant 0 : i32
      %dma_wait3A_98 = arith.constant 0 : i32
      %dma_wait3A_99 = tpu.memref_slice %arg5[%dma_wait3A_97, %dma_wait3A_98] : memref<50x128xi32, #tpu.memory_space<vmem>> -> memref<8x128xi32, #tpu.memory_space<vmem>>
      %dma_wait3A_100 = arith.constant 0 : i32
      %dma_wait3A_101 = arith.constant 0 : i32
      %dma_wait3A_102 = tpu.memref_slice %arg2[%add3A, %dma_wait3A_100, %dma_wait3A_101] : memref<32x50x128xi32, #tpu.memory_space<hbm>> -> memref<1x8x128xi32, #tpu.memory_space<hbm>>
      %dma_wait3A_103 = tpu.memref_squeeze %dma_wait3A_102 : memref<1x8x128xi32, #tpu.memory_space<hbm>> -> memref<8x128xi32, #tpu.memory_space<hbm>>
      tpu.wait_dma2 semaphore(%run_scoped3A : memref<!tpu.dma_semaphore, #tpu.memory_space<semaphore_mem>>) src(%dma_wait3A_103 : memref<8x128xi32, #tpu.memory_space<hbm>>) dst(%dma_wait3A_99 : memref<8x128xi32, #tpu.memory_space<vmem>>)
      tpu.yield
    }) : () -> ()
    %mul3A_1 = arith.constant 6400 : i32
    %mul3A_2 = arith.muli %add3A, %mul3A_1 : i32
    %dma_start3A = arith.constant 0 : i32
    %dma_start3A_3 = arith.constant 0 : i32
    %dma_start3A_4 = arith.constant 0 : i32
    %dma_start3A_5 = arith.constant 0 : i32
    %dma_start3A_6 = tpu.memref_slice %arg6[%dma_start3A_3, %dma_start3A_4, %dma_start3A_5] : memref<5x128x128xf32, #tpu.memory_space<vmem>> -> memref<1x128x128xf32, #tpu.memory_space<vmem>>
    %dma_start3A_7 = tpu.memref_squeeze %dma_start3A_6 : memref<1x128x128xf32, #tpu.memory_space<vmem>> -> memref<128x128xf32, #tpu.memory_space<vmem>>
    %dma_start3A_8 = arith.constant 0 : i32
    %dma_start3A_9 = tpu.memref_slice %arg5[%dma_start3A, %dma_start3A_8] : memref<50x128xi32, #tpu.memory_space<vmem>> -> memref<1x128xi32, #tpu.memory_space<vmem>>
    %dma_start3A_10 = tpu.memref_squeeze %dma_start3A_9 : memref<1x128xi32, #tpu.memory_space<vmem>> -> memref<128xi32, #tpu.memory_space<vmem>>
    %dma_start3A_11 = arith.constant 0 : i32
    %dma_start3A_12 = arith.constant 0 : i32
    %dma_start3A_13 = tpu.memref_slice %arg3[%dma_start3A_11, %dma_start3A_12] : memref<100000x128xf32, #tpu.memory_space<hbm>> -> memref<100000x128xf32, #tpu.memory_space<hbm>>
    tpu.enqueue_indirect_dma source(%dma_start3A_13 : memref<100000x128xf32, #tpu.memory_space<hbm>>) target(%dma_start3A_7 : memref<128x128xf32, #tpu.memory_space<vmem>>) offsets(%dma_start3A_10 : memref<128xi32, #tpu.memory_space<vmem>>) semaphore(%arg7 : memref<!tpu.dma_semaphore, #tpu.memory_space<semaphore_mem>>)
    %dma_start3A_14 = arith.constant 1 : i32
    %dma_start3A_15 = arith.constant 1 : i32
    %dma_start3A_16 = arith.constant 0 : i32
    %dma_start3A_17 = arith.constant 0 : i32
    %dma_start3A_18 = tpu.memref_slice %arg6[%dma_start3A_15, %dma_start3A_16, %dma_start3A_17] : memref<5x128x128xf32, #tpu.memory_space<vmem>> -> memref<1x128x128xf32, #tpu.memory_space<vmem>>
    %dma_start3A_19 = tpu.memref_squeeze %dma_start3A_18 : memref<1x128x128xf32, #tpu.memory_space<vmem>> -> memref<128x128xf32, #tpu.memory_space<vmem>>
    %dma_start3A_20 = arith.constant 0 : i32
    %dma_start3A_21 = tpu.memref_slice %arg5[%dma_start3A_14, %dma_start3A_20] : memref<50x128xi32, #tpu.memory_space<vmem>> -> memref<1x128xi32, #tpu.memory_space<vmem>>
    %dma_start3A_22 = tpu.memref_squeeze %dma_start3A_21 : memref<1x128xi32, #tpu.memory_space<vmem>> -> memref<128xi32, #tpu.memory_space<vmem>>
    %dma_start3A_23 = arith.constant 0 : i32
    %dma_start3A_24 = arith.constant 0 : i32
    %dma_start3A_25 = tpu.memref_slice %arg3[%dma_start3A_23, %dma_start3A_24] : memref<100000x128xf32, #tpu.memory_space<hbm>> -> memref<100000x128xf32, #tpu.memory_space<hbm>>
    tpu.enqueue_indirect_dma source(%dma_start3A_25 : memref<100000x128xf32, #tpu.memory_space<hbm>>) target(%dma_start3A_19 : memref<128x128xf32, #tpu.memory_space<vmem>>) offsets(%dma_start3A_22 : memref<128xi32, #tpu.memory_space<vmem>>) semaphore(%arg8 : memref<!tpu.dma_semaphore, #tpu.memory_space<semaphore_mem>>)
    "tpu.region"() ({
      %run_scoped3A = tpu.sem_alloc : memref<!tpu.dma_semaphore, #tpu.memory_space<semaphore_mem>>
      %dma_start3A_76 = arith.constant 8 : i32
      %dma_start3A_77 = arith.constant 0 : i32
      %dma_start3A_78 = tpu.memref_slice %arg5[%dma_start3A_76, %dma_start3A_77] : memref<50x128xi32, #tpu.memory_space<vmem>> -> memref<42x128xi32, #tpu.memory_space<vmem>>
      %dma_start3A_79 = arith.constant 8 : i32
      %dma_start3A_80 = arith.constant 0 : i32
      %dma_start3A_81 = tpu.memref_slice %arg2[%add3A, %dma_start3A_79, %dma_start3A_80] : memref<32x50x128xi32, #tpu.memory_space<hbm>> -> memref<1x42x128xi32, #tpu.memory_space<hbm>>
      %dma_start3A_82 = tpu.memref_squeeze %dma_start3A_81 : memref<1x42x128xi32, #tpu.memory_space<hbm>> -> memref<42x128xi32, #tpu.memory_space<hbm>>
      %dma_start3A_83 = arith.constant 8 : i32
      %dma_start3A_84 = arith.constant 0 : i32
      %dma_start3A_85 = tpu.memref_slice %arg5[%dma_start3A_83, %dma_start3A_84] : memref<50x128xi32, #tpu.memory_space<vmem>> -> memref<42x128xi32, #tpu.memory_space<vmem>>
      %dma_start3A_86 = arith.constant 8 : i32
      %dma_start3A_87 = arith.constant 0 : i32
      %dma_start3A_88 = tpu.memref_slice %arg2[%add3A, %dma_start3A_86, %dma_start3A_87] : memref<32x50x128xi32, #tpu.memory_space<hbm>> -> memref<1x42x128xi32, #tpu.memory_space<hbm>>
      %dma_start3A_89 = tpu.memref_squeeze %dma_start3A_88 : memref<1x42x128xi32, #tpu.memory_space<hbm>> -> memref<42x128xi32, #tpu.memory_space<hbm>>
      tpu.enqueue_dma source(%dma_start3A_89 : memref<42x128xi32, #tpu.memory_space<hbm>>) target(%dma_start3A_85 : memref<42x128xi32, #tpu.memory_space<vmem>>) target_semaphore(%run_scoped3A : memref<!tpu.dma_semaphore, #tpu.memory_space<semaphore_mem>>)
      %dma_wait3A_90 = arith.constant 8 : i32
      %dma_wait3A_91 = arith.constant 0 : i32
      %dma_wait3A_92 = tpu.memref_slice %arg5[%dma_wait3A_90, %dma_wait3A_91] : memref<50x128xi32, #tpu.memory_space<vmem>> -> memref<42x128xi32, #tpu.memory_space<vmem>>
      %dma_wait3A_93 = arith.constant 8 : i32
      %dma_wait3A_94 = arith.constant 0 : i32
      %dma_wait3A_95 = tpu.memref_slice %arg2[%add3A, %dma_wait3A_93, %dma_wait3A_94] : memref<32x50x128xi32, #tpu.memory_space<hbm>> -> memref<1x42x128xi32, #tpu.memory_space<hbm>>
      %dma_wait3A_96 = tpu.memref_squeeze %dma_wait3A_95 : memref<1x42x128xi32, #tpu.memory_space<hbm>> -> memref<42x128xi32, #tpu.memory_space<hbm>>
      %dma_wait3A_97 = arith.constant 8 : i32
      %dma_wait3A_98 = arith.constant 0 : i32
      %dma_wait3A_99 = tpu.memref_slice %arg5[%dma_wait3A_97, %dma_wait3A_98] : memref<50x128xi32, #tpu.memory_space<vmem>> -> memref<42x128xi32, #tpu.memory_space<vmem>>
      %dma_wait3A_100 = arith.constant 8 : i32
      %dma_wait3A_101 = arith.constant 0 : i32
      %dma_wait3A_102 = tpu.memref_slice %arg2[%add3A, %dma_wait3A_100, %dma_wait3A_101] : memref<32x50x128xi32, #tpu.memory_space<hbm>> -> memref<1x42x128xi32, #tpu.memory_space<hbm>>
      %dma_wait3A_103 = tpu.memref_squeeze %dma_wait3A_102 : memref<1x42x128xi32, #tpu.memory_space<hbm>> -> memref<42x128xi32, #tpu.memory_space<hbm>>
      tpu.wait_dma2 semaphore(%run_scoped3A : memref<!tpu.dma_semaphore, #tpu.memory_space<semaphore_mem>>) src(%dma_wait3A_103 : memref<42x128xi32, #tpu.memory_space<hbm>>) dst(%dma_wait3A_99 : memref<42x128xi32, #tpu.memory_space<vmem>>)
      tpu.yield
    }) : () -> ()
    %scan3A = arith.constant 0 : i32
    %scan3A_26 = arith.constant 0 : i32
    %scan3A_27 = arith.constant 10 : i32
    %scan3A_28 = arith.addi %scan3A_26, %scan3A_27 : i32
    %scan3A_29 = arith.constant 1 : i32
    %scan3A_30 = scf.for %scan3A_76 = %scan3A_26 to %scan3A_28 step %scan3A_29 iter_args(%scan3A_77 = %scan3A) -> (i32)  : i32 {
      %mul3A_78 = arith.constant 5 : i32
      %mul3A_79 = arith.muli %scan3A_76, %mul3A_78 : i32
      %add3A_80 = arith.constant 0 : i32
      %add3A_81 = arith.addi %mul3A_79, %add3A_80 : i32
      %dma_wait3A_82 = arith.constant 0 : i32
      %dma_wait3A_83 = arith.constant 0 : i32
      %dma_wait3A_84 = arith.constant 0 : i32
      %dma_wait3A_85 = tpu.memref_slice %arg6[%dma_wait3A_82, %dma_wait3A_83, %dma_wait3A_84] : memref<5x128x128xf32, #tpu.memory_space<vmem>> -> memref<1x128x128xf32, #tpu.memory_space<vmem>>
      %dma_wait3A_86 = tpu.memref_squeeze %dma_wait3A_85 : memref<1x128x128xf32, #tpu.memory_space<vmem>> -> memref<128x128xf32, #tpu.memory_space<vmem>>
      %dma_wait3A_87 = arith.constant 0 : i32
      %dma_wait3A_88 = tpu.memref_slice %arg5[%add3A_81, %dma_wait3A_87] : memref<50x128xi32, #tpu.memory_space<vmem>> -> memref<1x128xi32, #tpu.memory_space<vmem>>
      %dma_wait3A_89 = tpu.memref_squeeze %dma_wait3A_88 : memref<1x128xi32, #tpu.memory_space<vmem>> -> memref<128xi32, #tpu.memory_space<vmem>>
      %dma_wait3A_90 = arith.constant 0 : i32
      %dma_wait3A_91 = arith.constant 0 : i32
      %dma_wait3A_92 = tpu.memref_slice %arg3[%dma_wait3A_90, %dma_wait3A_91] : memref<100000x128xf32, #tpu.memory_space<hbm>> -> memref<100000x128xf32, #tpu.memory_space<hbm>>
      tpu.wait_indirect_dma semaphore(%arg7 : memref<!tpu.dma_semaphore, #tpu.memory_space<semaphore_mem>>) src(%dma_wait3A_92 : memref<100000x128xf32, #tpu.memory_space<hbm>>) dst(%dma_wait3A_86 : memref<128x128xf32, #tpu.memory_space<vmem>>)
      %mul3A_93 = arith.constant 128 : i32
      %mul3A_94 = arith.muli %add3A_81, %mul3A_93 : i32
      %add3A_95 = arith.addi %mul3A_2, %mul3A_94 : i32
      %dma_start3A_96 = arith.constant 0 : i32
      %dma_start3A_97 = arith.constant 0 : i32
      %dma_start3A_98 = arith.constant 0 : i32
      %dma_start3A_99 = tpu.memref_slice %arg6[%dma_start3A_96, %dma_start3A_97, %dma_start3A_98] : memref<5x128x128xf32, #tpu.memory_space<vmem>> -> memref<1x128x128xf32, #tpu.memory_space<vmem>>
      %dma_start3A_100 = tpu.memref_squeeze %dma_start3A_99 : memref<1x128x128xf32, #tpu.memory_space<vmem>> -> memref<128x128xf32, #tpu.memory_space<vmem>>
      %dma_start3A_101 = arith.constant 0 : i32
      %dma_start3A_102 = tpu.memref_slice %arg4[%add3A_95, %dma_start3A_101] : memref<204800x128xf32, #tpu.memory_space<hbm>> -> memref<128x128xf32, #tpu.memory_space<hbm>>
      %dma_start3A_103 = arith.constant 0 : i32
      %dma_start3A_104 = tpu.memref_slice %arg4[%add3A_95, %dma_start3A_103] : memref<204800x128xf32, #tpu.memory_space<hbm>> -> memref<128x128xf32, #tpu.memory_space<hbm>>
      %dma_start3A_105 = arith.constant 0 : i32
      %dma_start3A_106 = arith.constant 0 : i32
      %dma_start3A_107 = tpu.memref_slice %arg6[%dma_start3A_96, %dma_start3A_105, %dma_start3A_106] : memref<5x128x128xf32, #tpu.memory_space<vmem>> -> memref<1x128x128xf32, #tpu.memory_space<vmem>>
      %dma_start3A_108 = tpu.memref_squeeze %dma_start3A_107 : memref<1x128x128xf32, #tpu.memory_space<vmem>> -> memref<128x128xf32, #tpu.memory_space<vmem>>
      tpu.enqueue_dma source(%dma_start3A_108 : memref<128x128xf32, #tpu.memory_space<vmem>>) target(%dma_start3A_104 : memref<128x128xf32, #tpu.memory_space<hbm>>) target_semaphore(%arg12 : memref<!tpu.dma_semaphore, #tpu.memory_space<semaphore_mem>>)
      %add3A_109 = arith.constant 2 : i32
      %add3A_110 = arith.addi %add3A_81, %add3A_109 : i32
      %lt3A = arith.constant 50 : i32
      %lt3A_111 = arith.cmpi slt, %add3A_110, %lt3A : i32
      %convert_element_type3A = arith.extui %lt3A_111 : i1 to i32
      %cond3A = arith.constant 0 : i32
      %cond3A_112 = arith.cmpi ne, %convert_element_type3A, %cond3A : i32
      scf.if %cond3A_112 {
        %ge3A = arith.constant 5 : i32
        %ge3A_266 = arith.cmpi sge, %add3A_110, %ge3A : i32
        %convert_element_type3A_267 = arith.extui %ge3A_266 : i1 to i32
        %cond3A_268 = arith.constant 0 : i32
        %cond3A_269 = arith.cmpi ne, %convert_element_type3A_267, %cond3A_268 : i32
        scf.if %cond3A_269 {
          %sub3A = arith.constant 5 : i32
          %sub3A_281 = arith.subi %add3A_110, %sub3A : i32
          %mul3A_282 = arith.constant 128 : i32
          %mul3A_283 = arith.muli %sub3A_281, %mul3A_282 : i32
          %add3A_284 = arith.addi %mul3A_2, %mul3A_283 : i32
          %dma_wait3A_285 = arith.constant 2 : i32
          %dma_wait3A_286 = arith.constant 0 : i32
          %dma_wait3A_287 = arith.constant 0 : i32
          %dma_wait3A_288 = tpu.memref_slice %arg6[%dma_wait3A_285, %dma_wait3A_286, %dma_wait3A_287] : memref<5x128x128xf32, #tpu.memory_space<vmem>> -> memref<1x128x128xf32, #tpu.memory_space<vmem>>
          %dma_wait3A_289 = tpu.memref_squeeze %dma_wait3A_288 : memref<1x128x128xf32, #tpu.memory_space<vmem>> -> memref<128x128xf32, #tpu.memory_space<vmem>>
          %dma_wait3A_290 = arith.constant 0 : i32
          %dma_wait3A_291 = tpu.memref_slice %arg4[%add3A_284, %dma_wait3A_290] : memref<204800x128xf32, #tpu.memory_space<hbm>> -> memref<128x128xf32, #tpu.memory_space<hbm>>
          %dma_wait3A_292 = arith.constant 0 : i32
          %dma_wait3A_293 = tpu.memref_slice %arg4[%add3A_284, %dma_wait3A_292] : memref<204800x128xf32, #tpu.memory_space<hbm>> -> memref<128x128xf32, #tpu.memory_space<hbm>>
          %dma_wait3A_294 = arith.constant 0 : i32
          %dma_wait3A_295 = arith.constant 0 : i32
          %dma_wait3A_296 = tpu.memref_slice %arg6[%dma_wait3A_285, %dma_wait3A_294, %dma_wait3A_295] : memref<5x128x128xf32, #tpu.memory_space<vmem>> -> memref<1x128x128xf32, #tpu.memory_space<vmem>>
          %dma_wait3A_297 = tpu.memref_squeeze %dma_wait3A_296 : memref<1x128x128xf32, #tpu.memory_space<vmem>> -> memref<128x128xf32, #tpu.memory_space<vmem>>
          tpu.wait_dma2 semaphore(%arg14 : memref<!tpu.dma_semaphore, #tpu.memory_space<semaphore_mem>>) src(%dma_wait3A_297 : memref<128x128xf32, #tpu.memory_space<vmem>>) dst(%dma_wait3A_293 : memref<128x128xf32, #tpu.memory_space<hbm>>)
        } else {
        }
        %dma_start3A_270 = arith.constant 2 : i32
        %dma_start3A_271 = arith.constant 0 : i32
        %dma_start3A_272 = arith.constant 0 : i32
        %dma_start3A_273 = tpu.memref_slice %arg6[%dma_start3A_270, %dma_start3A_271, %dma_start3A_272] : memref<5x128x128xf32, #tpu.memory_space<vmem>> -> memref<1x128x128xf32, #tpu.memory_space<vmem>>
        %dma_start3A_274 = tpu.memref_squeeze %dma_start3A_273 : memref<1x128x128xf32, #tpu.memory_space<vmem>> -> memref<128x128xf32, #tpu.memory_space<vmem>>
        %dma_start3A_275 = arith.constant 0 : i32
        %dma_start3A_276 = tpu.memref_slice %arg5[%add3A_110, %dma_start3A_275] : memref<50x128xi32, #tpu.memory_space<vmem>> -> memref<1x128xi32, #tpu.memory_space<vmem>>
        %dma_start3A_277 = tpu.memref_squeeze %dma_start3A_276 : memref<1x128xi32, #tpu.memory_space<vmem>> -> memref<128xi32, #tpu.memory_space<vmem>>
        %dma_start3A_278 = arith.constant 0 : i32
        %dma_start3A_279 = arith.constant 0 : i32
        %dma_start3A_280 = tpu.memref_slice %arg3[%dma_start3A_278, %dma_start3A_279] : memref<100000x128xf32, #tpu.memory_space<hbm>> -> memref<100000x128xf32, #tpu.memory_space<hbm>>
        tpu.enqueue_indirect_dma source(%dma_start3A_280 : memref<100000x128xf32, #tpu.memory_space<hbm>>) target(%dma_start3A_274 : memref<128x128xf32, #tpu.memory_space<vmem>>) offsets(%dma_start3A_277 : memref<128xi32, #tpu.memory_space<vmem>>) semaphore(%arg9 : memref<!tpu.dma_semaphore, #tpu.memory_space<semaphore_mem>>)
      } else {
      }
      %mul3A_113 = arith.constant 5 : i32
      %mul3A_114 = arith.muli %scan3A_76, %mul3A_113 : i32
      %add3A_115 = arith.constant 1 : i32
      %add3A_116 = arith.addi %mul3A_114, %add3A_115 : i32
      %dma_wait3A_117 = arith.constant 1 : i32
      %dma_wait3A_118 = arith.constant 0 : i32
      %dma_wait3A_119 = arith.constant 0 : i32
      %dma_wait3A_120 = tpu.memref_slice %arg6[%dma_wait3A_117, %dma_wait3A_118, %dma_wait3A_119] : memref<5x128x128xf32, #tpu.memory_space<vmem>> -> memref<1x128x128xf32, #tpu.memory_space<vmem>>
      %dma_wait3A_121 = tpu.memref_squeeze %dma_wait3A_120 : memref<1x128x128xf32, #tpu.memory_space<vmem>> -> memref<128x128xf32, #tpu.memory_space<vmem>>
      %dma_wait3A_122 = arith.constant 0 : i32
      %dma_wait3A_123 = tpu.memref_slice %arg5[%add3A_116, %dma_wait3A_122] : memref<50x128xi32, #tpu.memory_space<vmem>> -> memref<1x128xi32, #tpu.memory_space<vmem>>
      %dma_wait3A_124 = tpu.memref_squeeze %dma_wait3A_123 : memref<1x128xi32, #tpu.memory_space<vmem>> -> memref<128xi32, #tpu.memory_space<vmem>>
      %dma_wait3A_125 = arith.constant 0 : i32
      %dma_wait3A_126 = arith.constant 0 : i32
      %dma_wait3A_127 = tpu.memref_slice %arg3[%dma_wait3A_125, %dma_wait3A_126] : memref<100000x128xf32, #tpu.memory_space<hbm>> -> memref<100000x128xf32, #tpu.memory_space<hbm>>
      tpu.wait_indirect_dma semaphore(%arg8 : memref<!tpu.dma_semaphore, #tpu.memory_space<semaphore_mem>>) src(%dma_wait3A_127 : memref<100000x128xf32, #tpu.memory_space<hbm>>) dst(%dma_wait3A_121 : memref<128x128xf32, #tpu.memory_space<vmem>>)
      %mul3A_128 = arith.constant 128 : i32
      %mul3A_129 = arith.muli %add3A_116, %mul3A_128 : i32
      %add3A_130 = arith.addi %mul3A_2, %mul3A_129 : i32
      %dma_start3A_131 = arith.constant 1 : i32
      %dma_start3A_132 = arith.constant 0 : i32
      %dma_start3A_133 = arith.constant 0 : i32
      %dma_start3A_134 = tpu.memref_slice %arg6[%dma_start3A_131, %dma_start3A_132, %dma_start3A_133] : memref<5x128x128xf32, #tpu.memory_space<vmem>> -> memref<1x128x128xf32, #tpu.memory_space<vmem>>
      %dma_start3A_135 = tpu.memref_squeeze %dma_start3A_134 : memref<1x128x128xf32, #tpu.memory_space<vmem>> -> memref<128x128xf32, #tpu.memory_space<vmem>>
      %dma_start3A_136 = arith.constant 0 : i32
      %dma_start3A_137 = tpu.memref_slice %arg4[%add3A_130, %dma_start3A_136] : memref<204800x128xf32, #tpu.memory_space<hbm>> -> memref<128x128xf32, #tpu.memory_space<hbm>>
      %dma_start3A_138 = arith.constant 0 : i32
      %dma_start3A_139 = tpu.memref_slice %arg4[%add3A_130, %dma_start3A_138] : memref<204800x128xf32, #tpu.memory_space<hbm>> -> memref<128x128xf32, #tpu.memory_space<hbm>>
      %dma_start3A_140 = arith.constant 0 : i32
      %dma_start3A_141 = arith.constant 0 : i32
      %dma_start3A_142 = tpu.memref_slice %arg6[%dma_start3A_131, %dma_start3A_140, %dma_start3A_141] : memref<5x128x128xf32, #tpu.memory_space<vmem>> -> memref<1x128x128xf32, #tpu.memory_space<vmem>>
      %dma_start3A_143 = tpu.memref_squeeze %dma_start3A_142 : memref<1x128x128xf32, #tpu.memory_space<vmem>> -> memref<128x128xf32, #tpu.memory_space<vmem>>
      tpu.enqueue_dma source(%dma_start3A_143 : memref<128x128xf32, #tpu.memory_space<vmem>>) target(%dma_start3A_139 : memref<128x128xf32, #tpu.memory_space<hbm>>) target_semaphore(%arg13 : memref<!tpu.dma_semaphore, #tpu.memory_space<semaphore_mem>>)
      %add3A_144 = arith.constant 2 : i32
      %add3A_145 = arith.addi %add3A_116, %add3A_144 : i32
      %lt3A_146 = arith.constant 50 : i32
      %lt3A_147 = arith.cmpi slt, %add3A_145, %lt3A_146 : i32
      %convert_element_type3A_148 = arith.extui %lt3A_147 : i1 to i32
      %cond3A_149 = arith.constant 0 : i32
      %cond3A_150 = arith.cmpi ne, %convert_element_type3A_148, %cond3A_149 : i32
      scf.if %cond3A_150 {
        %ge3A = arith.constant 5 : i32
        %ge3A_266 = arith.cmpi sge, %add3A_145, %ge3A : i32
        %convert_element_type3A_267 = arith.extui %ge3A_266 : i1 to i32
        %cond3A_268 = arith.constant 0 : i32
        %cond3A_269 = arith.cmpi ne, %convert_element_type3A_267, %cond3A_268 : i32
        scf.if %cond3A_269 {
          %sub3A = arith.constant 5 : i32
          %sub3A_281 = arith.subi %add3A_145, %sub3A : i32
          %mul3A_282 = arith.constant 128 : i32
          %mul3A_283 = arith.muli %sub3A_281, %mul3A_282 : i32
          %add3A_284 = arith.addi %mul3A_2, %mul3A_283 : i32
          %dma_wait3A_285 = arith.constant 3 : i32
          %dma_wait3A_286 = arith.constant 0 : i32
          %dma_wait3A_287 = arith.constant 0 : i32
          %dma_wait3A_288 = tpu.memref_slice %arg6[%dma_wait3A_285, %dma_wait3A_286, %dma_wait3A_287] : memref<5x128x128xf32, #tpu.memory_space<vmem>> -> memref<1x128x128xf32, #tpu.memory_space<vmem>>
          %dma_wait3A_289 = tpu.memref_squeeze %dma_wait3A_288 : memref<1x128x128xf32, #tpu.memory_space<vmem>> -> memref<128x128xf32, #tpu.memory_space<vmem>>
          %dma_wait3A_290 = arith.constant 0 : i32
          %dma_wait3A_291 = tpu.memref_slice %arg4[%add3A_284, %dma_wait3A_290] : memref<204800x128xf32, #tpu.memory_space<hbm>> -> memref<128x128xf32, #tpu.memory_space<hbm>>
          %dma_wait3A_292 = arith.constant 0 : i32
          %dma_wait3A_293 = tpu.memref_slice %arg4[%add3A_284, %dma_wait3A_292] : memref<204800x128xf32, #tpu.memory_space<hbm>> -> memref<128x128xf32, #tpu.memory_space<hbm>>
          %dma_wait3A_294 = arith.constant 0 : i32
          %dma_wait3A_295 = arith.constant 0 : i32
          %dma_wait3A_296 = tpu.memref_slice %arg6[%dma_wait3A_285, %dma_wait3A_294, %dma_wait3A_295] : memref<5x128x128xf32, #tpu.memory_space<vmem>> -> memref<1x128x128xf32, #tpu.memory_space<vmem>>
          %dma_wait3A_297 = tpu.memref_squeeze %dma_wait3A_296 : memref<1x128x128xf32, #tpu.memory_space<vmem>> -> memref<128x128xf32, #tpu.memory_space<vmem>>
          tpu.wait_dma2 semaphore(%arg15 : memref<!tpu.dma_semaphore, #tpu.memory_space<semaphore_mem>>) src(%dma_wait3A_297 : memref<128x128xf32, #tpu.memory_space<vmem>>) dst(%dma_wait3A_293 : memref<128x128xf32, #tpu.memory_space<hbm>>)
        } else {
        }
        %dma_start3A_270 = arith.constant 3 : i32
        %dma_start3A_271 = arith.constant 0 : i32
        %dma_start3A_272 = arith.constant 0 : i32
        %dma_start3A_273 = tpu.memref_slice %arg6[%dma_start3A_270, %dma_start3A_271, %dma_start3A_272] : memref<5x128x128xf32, #tpu.memory_space<vmem>> -> memref<1x128x128xf32, #tpu.memory_space<vmem>>
        %dma_start3A_274 = tpu.memref_squeeze %dma_start3A_273 : memref<1x128x128xf32, #tpu.memory_space<vmem>> -> memref<128x128xf32, #tpu.memory_space<vmem>>
        %dma_start3A_275 = arith.constant 0 : i32
        %dma_start3A_276 = tpu.memref_slice %arg5[%add3A_145, %dma_start3A_275] : memref<50x128xi32, #tpu.memory_space<vmem>> -> memref<1x128xi32, #tpu.memory_space<vmem>>
        %dma_start3A_277 = tpu.memref_squeeze %dma_start3A_276 : memref<1x128xi32, #tpu.memory_space<vmem>> -> memref<128xi32, #tpu.memory_space<vmem>>
        %dma_start3A_278 = arith.constant 0 : i32
        %dma_start3A_279 = arith.constant 0 : i32
        %dma_start3A_280 = tpu.memref_slice %arg3[%dma_start3A_278, %dma_start3A_279] : memref<100000x128xf32, #tpu.memory_space<hbm>> -> memref<100000x128xf32, #tpu.memory_space<hbm>>
        tpu.enqueue_indirect_dma source(%dma_start3A_280 : memref<100000x128xf32, #tpu.memory_space<hbm>>) target(%dma_start3A_274 : memref<128x128xf32, #tpu.memory_space<vmem>>) offsets(%dma_start3A_277 : memref<128xi32, #tpu.memory_space<vmem>>) semaphore(%arg10 : memref<!tpu.dma_semaphore, #tpu.memory_space<semaphore_mem>>)
      } else {
      }
      %mul3A_151 = arith.constant 5 : i32
      %mul3A_152 = arith.muli %scan3A_76, %mul3A_151 : i32
      %add3A_153 = arith.constant 2 : i32
      %add3A_154 = arith.addi %mul3A_152, %add3A_153 : i32
      %dma_wait3A_155 = arith.constant 2 : i32
      %dma_wait3A_156 = arith.constant 0 : i32
      %dma_wait3A_157 = arith.constant 0 : i32
      %dma_wait3A_158 = tpu.memref_slice %arg6[%dma_wait3A_155, %dma_wait3A_156, %dma_wait3A_157] : memref<5x128x128xf32, #tpu.memory_space<vmem>> -> memref<1x128x128xf32, #tpu.memory_space<vmem>>
      %dma_wait3A_159 = tpu.memref_squeeze %dma_wait3A_158 : memref<1x128x128xf32, #tpu.memory_space<vmem>> -> memref<128x128xf32, #tpu.memory_space<vmem>>
      %dma_wait3A_160 = arith.constant 0 : i32
      %dma_wait3A_161 = tpu.memref_slice %arg5[%add3A_154, %dma_wait3A_160] : memref<50x128xi32, #tpu.memory_space<vmem>> -> memref<1x128xi32, #tpu.memory_space<vmem>>
      %dma_wait3A_162 = tpu.memref_squeeze %dma_wait3A_161 : memref<1x128xi32, #tpu.memory_space<vmem>> -> memref<128xi32, #tpu.memory_space<vmem>>
      %dma_wait3A_163 = arith.constant 0 : i32
      %dma_wait3A_164 = arith.constant 0 : i32
      %dma_wait3A_165 = tpu.memref_slice %arg3[%dma_wait3A_163, %dma_wait3A_164] : memref<100000x128xf32, #tpu.memory_space<hbm>> -> memref<100000x128xf32, #tpu.memory_space<hbm>>
      tpu.wait_indirect_dma semaphore(%arg9 : memref<!tpu.dma_semaphore, #tpu.memory_space<semaphore_mem>>) src(%dma_wait3A_165 : memref<100000x128xf32, #tpu.memory_space<hbm>>) dst(%dma_wait3A_159 : memref<128x128xf32, #tpu.memory_space<vmem>>)
      %mul3A_166 = arith.constant 128 : i32
      %mul3A_167 = arith.muli %add3A_154, %mul3A_166 : i32
      %add3A_168 = arith.addi %mul3A_2, %mul3A_167 : i32
      %dma_start3A_169 = arith.constant 2 : i32
      %dma_start3A_170 = arith.constant 0 : i32
      %dma_start3A_171 = arith.constant 0 : i32
      %dma_start3A_172 = tpu.memref_slice %arg6[%dma_start3A_169, %dma_start3A_170, %dma_start3A_171] : memref<5x128x128xf32, #tpu.memory_space<vmem>> -> memref<1x128x128xf32, #tpu.memory_space<vmem>>
      %dma_start3A_173 = tpu.memref_squeeze %dma_start3A_172 : memref<1x128x128xf32, #tpu.memory_space<vmem>> -> memref<128x128xf32, #tpu.memory_space<vmem>>
      %dma_start3A_174 = arith.constant 0 : i32
      %dma_start3A_175 = tpu.memref_slice %arg4[%add3A_168, %dma_start3A_174] : memref<204800x128xf32, #tpu.memory_space<hbm>> -> memref<128x128xf32, #tpu.memory_space<hbm>>
      %dma_start3A_176 = arith.constant 0 : i32
      %dma_start3A_177 = tpu.memref_slice %arg4[%add3A_168, %dma_start3A_176] : memref<204800x128xf32, #tpu.memory_space<hbm>> -> memref<128x128xf32, #tpu.memory_space<hbm>>
      %dma_start3A_178 = arith.constant 0 : i32
      %dma_start3A_179 = arith.constant 0 : i32
      %dma_start3A_180 = tpu.memref_slice %arg6[%dma_start3A_169, %dma_start3A_178, %dma_start3A_179] : memref<5x128x128xf32, #tpu.memory_space<vmem>> -> memref<1x128x128xf32, #tpu.memory_space<vmem>>
      %dma_start3A_181 = tpu.memref_squeeze %dma_start3A_180 : memref<1x128x128xf32, #tpu.memory_space<vmem>> -> memref<128x128xf32, #tpu.memory_space<vmem>>
      tpu.enqueue_dma source(%dma_start3A_181 : memref<128x128xf32, #tpu.memory_space<vmem>>) target(%dma_start3A_177 : memref<128x128xf32, #tpu.memory_space<hbm>>) target_semaphore(%arg14 : memref<!tpu.dma_semaphore, #tpu.memory_space<semaphore_mem>>)
      %add3A_182 = arith.constant 2 : i32
      %add3A_183 = arith.addi %add3A_154, %add3A_182 : i32
      %lt3A_184 = arith.constant 50 : i32
      %lt3A_185 = arith.cmpi slt, %add3A_183, %lt3A_184 : i32
      %convert_element_type3A_186 = arith.extui %lt3A_185 : i1 to i32
      %cond3A_187 = arith.constant 0 : i32
      %cond3A_188 = arith.cmpi ne, %convert_element_type3A_186, %cond3A_187 : i32
      scf.if %cond3A_188 {
        %ge3A = arith.constant 5 : i32
        %ge3A_266 = arith.cmpi sge, %add3A_183, %ge3A : i32
        %convert_element_type3A_267 = arith.extui %ge3A_266 : i1 to i32
        %cond3A_268 = arith.constant 0 : i32
        %cond3A_269 = arith.cmpi ne, %convert_element_type3A_267, %cond3A_268 : i32
        scf.if %cond3A_269 {
          %sub3A = arith.constant 5 : i32
          %sub3A_281 = arith.subi %add3A_183, %sub3A : i32
          %mul3A_282 = arith.constant 128 : i32
          %mul3A_283 = arith.muli %sub3A_281, %mul3A_282 : i32
          %add3A_284 = arith.addi %mul3A_2, %mul3A_283 : i32
          %dma_wait3A_285 = arith.constant 4 : i32
          %dma_wait3A_286 = arith.constant 0 : i32
          %dma_wait3A_287 = arith.constant 0 : i32
          %dma_wait3A_288 = tpu.memref_slice %arg6[%dma_wait3A_285, %dma_wait3A_286, %dma_wait3A_287] : memref<5x128x128xf32, #tpu.memory_space<vmem>> -> memref<1x128x128xf32, #tpu.memory_space<vmem>>
          %dma_wait3A_289 = tpu.memref_squeeze %dma_wait3A_288 : memref<1x128x128xf32, #tpu.memory_space<vmem>> -> memref<128x128xf32, #tpu.memory_space<vmem>>
          %dma_wait3A_290 = arith.constant 0 : i32
          %dma_wait3A_291 = tpu.memref_slice %arg4[%add3A_284, %dma_wait3A_290] : memref<204800x128xf32, #tpu.memory_space<hbm>> -> memref<128x128xf32, #tpu.memory_space<hbm>>
          %dma_wait3A_292 = arith.constant 0 : i32
          %dma_wait3A_293 = tpu.memref_slice %arg4[%add3A_284, %dma_wait3A_292] : memref<204800x128xf32, #tpu.memory_space<hbm>> -> memref<128x128xf32, #tpu.memory_space<hbm>>
          %dma_wait3A_294 = arith.constant 0 : i32
          %dma_wait3A_295 = arith.constant 0 : i32
          %dma_wait3A_296 = tpu.memref_slice %arg6[%dma_wait3A_285, %dma_wait3A_294, %dma_wait3A_295] : memref<5x128x128xf32, #tpu.memory_space<vmem>> -> memref<1x128x128xf32, #tpu.memory_space<vmem>>
          %dma_wait3A_297 = tpu.memref_squeeze %dma_wait3A_296 : memref<1x128x128xf32, #tpu.memory_space<vmem>> -> memref<128x128xf32, #tpu.memory_space<vmem>>
          tpu.wait_dma2 semaphore(%arg16 : memref<!tpu.dma_semaphore, #tpu.memory_space<semaphore_mem>>) src(%dma_wait3A_297 : memref<128x128xf32, #tpu.memory_space<vmem>>) dst(%dma_wait3A_293 : memref<128x128xf32, #tpu.memory_space<hbm>>)
        } else {
        }
        %dma_start3A_270 = arith.constant 4 : i32
        %dma_start3A_271 = arith.constant 0 : i32
        %dma_start3A_272 = arith.constant 0 : i32
        %dma_start3A_273 = tpu.memref_slice %arg6[%dma_start3A_270, %dma_start3A_271, %dma_start3A_272] : memref<5x128x128xf32, #tpu.memory_space<vmem>> -> memref<1x128x128xf32, #tpu.memory_space<vmem>>
        %dma_start3A_274 = tpu.memref_squeeze %dma_start3A_273 : memref<1x128x128xf32, #tpu.memory_space<vmem>> -> memref<128x128xf32, #tpu.memory_space<vmem>>
        %dma_start3A_275 = arith.constant 0 : i32
        %dma_start3A_276 = tpu.memref_slice %arg5[%add3A_183, %dma_start3A_275] : memref<50x128xi32, #tpu.memory_space<vmem>> -> memref<1x128xi32, #tpu.memory_space<vmem>>
        %dma_start3A_277 = tpu.memref_squeeze %dma_start3A_276 : memref<1x128xi32, #tpu.memory_space<vmem>> -> memref<128xi32, #tpu.memory_space<vmem>>
        %dma_start3A_278 = arith.constant 0 : i32
        %dma_start3A_279 = arith.constant 0 : i32
        %dma_start3A_280 = tpu.memref_slice %arg3[%dma_start3A_278, %dma_start3A_279] : memref<100000x128xf32, #tpu.memory_space<hbm>> -> memref<100000x128xf32, #tpu.memory_space<hbm>>
        tpu.enqueue_indirect_dma source(%dma_start3A_280 : memref<100000x128xf32, #tpu.memory_space<hbm>>) target(%dma_start3A_274 : memref<128x128xf32, #tpu.memory_space<vmem>>) offsets(%dma_start3A_277 : memref<128xi32, #tpu.memory_space<vmem>>) semaphore(%arg11 : memref<!tpu.dma_semaphore, #tpu.memory_space<semaphore_mem>>)
      } else {
      }
      %mul3A_189 = arith.constant 5 : i32
      %mul3A_190 = arith.muli %scan3A_76, %mul3A_189 : i32
      %add3A_191 = arith.constant 3 : i32
      %add3A_192 = arith.addi %mul3A_190, %add3A_191 : i32
      %dma_wait3A_193 = arith.constant 3 : i32
      %dma_wait3A_194 = arith.constant 0 : i32
      %dma_wait3A_195 = arith.constant 0 : i32
      %dma_wait3A_196 = tpu.memref_slice %arg6[%dma_wait3A_193, %dma_wait3A_194, %dma_wait3A_195] : memref<5x128x128xf32, #tpu.memory_space<vmem>> -> memref<1x128x128xf32, #tpu.memory_space<vmem>>
      %dma_wait3A_197 = tpu.memref_squeeze %dma_wait3A_196 : memref<1x128x128xf32, #tpu.memory_space<vmem>> -> memref<128x128xf32, #tpu.memory_space<vmem>>
      %dma_wait3A_198 = arith.constant 0 : i32
      %dma_wait3A_199 = tpu.memref_slice %arg5[%add3A_192, %dma_wait3A_198] : memref<50x128xi32, #tpu.memory_space<vmem>> -> memref<1x128xi32, #tpu.memory_space<vmem>>
      %dma_wait3A_200 = tpu.memref_squeeze %dma_wait3A_199 : memref<1x128xi32, #tpu.memory_space<vmem>> -> memref<128xi32, #tpu.memory_space<vmem>>
      %dma_wait3A_201 = arith.constant 0 : i32
      %dma_wait3A_202 = arith.constant 0 : i32
      %dma_wait3A_203 = tpu.memref_slice %arg3[%dma_wait3A_201, %dma_wait3A_202] : memref<100000x128xf32, #tpu.memory_space<hbm>> -> memref<100000x128xf32, #tpu.memory_space<hbm>>
      tpu.wait_indirect_dma semaphore(%arg10 : memref<!tpu.dma_semaphore, #tpu.memory_space<semaphore_mem>>) src(%dma_wait3A_203 : memref<100000x128xf32, #tpu.memory_space<hbm>>) dst(%dma_wait3A_197 : memref<128x128xf32, #tpu.memory_space<vmem>>)
      %mul3A_204 = arith.constant 128 : i32
      %mul3A_205 = arith.muli %add3A_192, %mul3A_204 : i32
      %add3A_206 = arith.addi %mul3A_2, %mul3A_205 : i32
      %dma_start3A_207 = arith.constant 3 : i32
      %dma_start3A_208 = arith.constant 0 : i32
      %dma_start3A_209 = arith.constant 0 : i32
      %dma_start3A_210 = tpu.memref_slice %arg6[%dma_start3A_207, %dma_start3A_208, %dma_start3A_209] : memref<5x128x128xf32, #tpu.memory_space<vmem>> -> memref<1x128x128xf32, #tpu.memory_space<vmem>>
      %dma_start3A_211 = tpu.memref_squeeze %dma_start3A_210 : memref<1x128x128xf32, #tpu.memory_space<vmem>> -> memref<128x128xf32, #tpu.memory_space<vmem>>
      %dma_start3A_212 = arith.constant 0 : i32
      %dma_start3A_213 = tpu.memref_slice %arg4[%add3A_206, %dma_start3A_212] : memref<204800x128xf32, #tpu.memory_space<hbm>> -> memref<128x128xf32, #tpu.memory_space<hbm>>
      %dma_start3A_214 = arith.constant 0 : i32
      %dma_start3A_215 = tpu.memref_slice %arg4[%add3A_206, %dma_start3A_214] : memref<204800x128xf32, #tpu.memory_space<hbm>> -> memref<128x128xf32, #tpu.memory_space<hbm>>
      %dma_start3A_216 = arith.constant 0 : i32
      %dma_start3A_217 = arith.constant 0 : i32
      %dma_start3A_218 = tpu.memref_slice %arg6[%dma_start3A_207, %dma_start3A_216, %dma_start3A_217] : memref<5x128x128xf32, #tpu.memory_space<vmem>> -> memref<1x128x128xf32, #tpu.memory_space<vmem>>
      %dma_start3A_219 = tpu.memref_squeeze %dma_start3A_218 : memref<1x128x128xf32, #tpu.memory_space<vmem>> -> memref<128x128xf32, #tpu.memory_space<vmem>>
      tpu.enqueue_dma source(%dma_start3A_219 : memref<128x128xf32, #tpu.memory_space<vmem>>) target(%dma_start3A_215 : memref<128x128xf32, #tpu.memory_space<hbm>>) target_semaphore(%arg15 : memref<!tpu.dma_semaphore, #tpu.memory_space<semaphore_mem>>)
      %add3A_220 = arith.constant 2 : i32
      %add3A_221 = arith.addi %add3A_192, %add3A_220 : i32
      %lt3A_222 = arith.constant 50 : i32
      %lt3A_223 = arith.cmpi slt, %add3A_221, %lt3A_222 : i32
      %convert_element_type3A_224 = arith.extui %lt3A_223 : i1 to i32
      %cond3A_225 = arith.constant 0 : i32
      %cond3A_226 = arith.cmpi ne, %convert_element_type3A_224, %cond3A_225 : i32
      scf.if %cond3A_226 {
        %ge3A = arith.constant 5 : i32
        %ge3A_266 = arith.cmpi sge, %add3A_221, %ge3A : i32
        %convert_element_type3A_267 = arith.extui %ge3A_266 : i1 to i32
        %cond3A_268 = arith.constant 0 : i32
        %cond3A_269 = arith.cmpi ne, %convert_element_type3A_267, %cond3A_268 : i32
        scf.if %cond3A_269 {
          %sub3A = arith.constant 5 : i32
          %sub3A_281 = arith.subi %add3A_221, %sub3A : i32
          %mul3A_282 = arith.constant 128 : i32
          %mul3A_283 = arith.muli %sub3A_281, %mul3A_282 : i32
          %add3A_284 = arith.addi %mul3A_2, %mul3A_283 : i32
          %dma_wait3A_285 = arith.constant 0 : i32
          %dma_wait3A_286 = arith.constant 0 : i32
          %dma_wait3A_287 = arith.constant 0 : i32
          %dma_wait3A_288 = tpu.memref_slice %arg6[%dma_wait3A_285, %dma_wait3A_286, %dma_wait3A_287] : memref<5x128x128xf32, #tpu.memory_space<vmem>> -> memref<1x128x128xf32, #tpu.memory_space<vmem>>
          %dma_wait3A_289 = tpu.memref_squeeze %dma_wait3A_288 : memref<1x128x128xf32, #tpu.memory_space<vmem>> -> memref<128x128xf32, #tpu.memory_space<vmem>>
          %dma_wait3A_290 = arith.constant 0 : i32
          %dma_wait3A_291 = tpu.memref_slice %arg4[%add3A_284, %dma_wait3A_290] : memref<204800x128xf32, #tpu.memory_space<hbm>> -> memref<128x128xf32, #tpu.memory_space<hbm>>
          %dma_wait3A_292 = arith.constant 0 : i32
          %dma_wait3A_293 = tpu.memref_slice %arg4[%add3A_284, %dma_wait3A_292] : memref<204800x128xf32, #tpu.memory_space<hbm>> -> memref<128x128xf32, #tpu.memory_space<hbm>>
          %dma_wait3A_294 = arith.constant 0 : i32
          %dma_wait3A_295 = arith.constant 0 : i32
          %dma_wait3A_296 = tpu.memref_slice %arg6[%dma_wait3A_285, %dma_wait3A_294, %dma_wait3A_295] : memref<5x128x128xf32, #tpu.memory_space<vmem>> -> memref<1x128x128xf32, #tpu.memory_space<vmem>>
          %dma_wait3A_297 = tpu.memref_squeeze %dma_wait3A_296 : memref<1x128x128xf32, #tpu.memory_space<vmem>> -> memref<128x128xf32, #tpu.memory_space<vmem>>
          tpu.wait_dma2 semaphore(%arg12 : memref<!tpu.dma_semaphore, #tpu.memory_space<semaphore_mem>>) src(%dma_wait3A_297 : memref<128x128xf32, #tpu.memory_space<vmem>>) dst(%dma_wait3A_293 : memref<128x128xf32, #tpu.memory_space<hbm>>)
        } else {
        }
        %dma_start3A_270 = arith.constant 0 : i32
        %dma_start3A_271 = arith.constant 0 : i32
        %dma_start3A_272 = arith.constant 0 : i32
        %dma_start3A_273 = tpu.memref_slice %arg6[%dma_start3A_270, %dma_start3A_271, %dma_start3A_272] : memref<5x128x128xf32, #tpu.memory_space<vmem>> -> memref<1x128x128xf32, #tpu.memory_space<vmem>>
        %dma_start3A_274 = tpu.memref_squeeze %dma_start3A_273 : memref<1x128x128xf32, #tpu.memory_space<vmem>> -> memref<128x128xf32, #tpu.memory_space<vmem>>
        %dma_start3A_275 = arith.constant 0 : i32
        %dma_start3A_276 = tpu.memref_slice %arg5[%add3A_221, %dma_start3A_275] : memref<50x128xi32, #tpu.memory_space<vmem>> -> memref<1x128xi32, #tpu.memory_space<vmem>>
        %dma_start3A_277 = tpu.memref_squeeze %dma_start3A_276 : memref<1x128xi32, #tpu.memory_space<vmem>> -> memref<128xi32, #tpu.memory_space<vmem>>
        %dma_start3A_278 = arith.constant 0 : i32
        %dma_start3A_279 = arith.constant 0 : i32
        %dma_start3A_280 = tpu.memref_slice %arg3[%dma_start3A_278, %dma_start3A_279] : memref<100000x128xf32, #tpu.memory_space<hbm>> -> memref<100000x128xf32, #tpu.memory_space<hbm>>
        tpu.enqueue_indirect_dma source(%dma_start3A_280 : memref<100000x128xf32, #tpu.memory_space<hbm>>) target(%dma_start3A_274 : memref<128x128xf32, #tpu.memory_space<vmem>>) offsets(%dma_start3A_277 : memref<128xi32, #tpu.memory_space<vmem>>) semaphore(%arg7 : memref<!tpu.dma_semaphore, #tpu.memory_space<semaphore_mem>>)
      } else {
      }
      %mul3A_227 = arith.constant 5 : i32
      %mul3A_228 = arith.muli %scan3A_76, %mul3A_227 : i32
      %add3A_229 = arith.constant 4 : i32
      %add3A_230 = arith.addi %mul3A_228, %add3A_229 : i32
      %dma_wait3A_231 = arith.constant 4 : i32
      %dma_wait3A_232 = arith.constant 0 : i32
      %dma_wait3A_233 = arith.constant 0 : i32
      %dma_wait3A_234 = tpu.memref_slice %arg6[%dma_wait3A_231, %dma_wait3A_232, %dma_wait3A_233] : memref<5x128x128xf32, #tpu.memory_space<vmem>> -> memref<1x128x128xf32, #tpu.memory_space<vmem>>
      %dma_wait3A_235 = tpu.memref_squeeze %dma_wait3A_234 : memref<1x128x128xf32, #tpu.memory_space<vmem>> -> memref<128x128xf32, #tpu.memory_space<vmem>>
      %dma_wait3A_236 = arith.constant 0 : i32
      %dma_wait3A_237 = tpu.memref_slice %arg5[%add3A_230, %dma_wait3A_236] : memref<50x128xi32, #tpu.memory_space<vmem>> -> memref<1x128xi32, #tpu.memory_space<vmem>>
      %dma_wait3A_238 = tpu.memref_squeeze %dma_wait3A_237 : memref<1x128xi32, #tpu.memory_space<vmem>> -> memref<128xi32, #tpu.memory_space<vmem>>
      %dma_wait3A_239 = arith.constant 0 : i32
      %dma_wait3A_240 = arith.constant 0 : i32
      %dma_wait3A_241 = tpu.memref_slice %arg3[%dma_wait3A_239, %dma_wait3A_240] : memref<100000x128xf32, #tpu.memory_space<hbm>> -> memref<100000x128xf32, #tpu.memory_space<hbm>>
      tpu.wait_indirect_dma semaphore(%arg11 : memref<!tpu.dma_semaphore, #tpu.memory_space<semaphore_mem>>) src(%dma_wait3A_241 : memref<100000x128xf32, #tpu.memory_space<hbm>>) dst(%dma_wait3A_235 : memref<128x128xf32, #tpu.memory_space<vmem>>)
      %mul3A_242 = arith.constant 128 : i32
      %mul3A_243 = arith.muli %add3A_230, %mul3A_242 : i32
      %add3A_244 = arith.addi %mul3A_2, %mul3A_243 : i32
      %dma_start3A_245 = arith.constant 4 : i32
      %dma_start3A_246 = arith.constant 0 : i32
      %dma_start3A_247 = arith.constant 0 : i32
      %dma_start3A_248 = tpu.memref_slice %arg6[%dma_start3A_245, %dma_start3A_246, %dma_start3A_247] : memref<5x128x128xf32, #tpu.memory_space<vmem>> -> memref<1x128x128xf32, #tpu.memory_space<vmem>>
      %dma_start3A_249 = tpu.memref_squeeze %dma_start3A_248 : memref<1x128x128xf32, #tpu.memory_space<vmem>> -> memref<128x128xf32, #tpu.memory_space<vmem>>
      %dma_start3A_250 = arith.constant 0 : i32
      %dma_start3A_251 = tpu.memref_slice %arg4[%add3A_244, %dma_start3A_250] : memref<204800x128xf32, #tpu.memory_space<hbm>> -> memref<128x128xf32, #tpu.memory_space<hbm>>
      %dma_start3A_252 = arith.constant 0 : i32
      %dma_start3A_253 = tpu.memref_slice %arg4[%add3A_244, %dma_start3A_252] : memref<204800x128xf32, #tpu.memory_space<hbm>> -> memref<128x128xf32, #tpu.memory_space<hbm>>
      %dma_start3A_254 = arith.constant 0 : i32
      %dma_start3A_255 = arith.constant 0 : i32
      %dma_start3A_256 = tpu.memref_slice %arg6[%dma_start3A_245, %dma_start3A_254, %dma_start3A_255] : memref<5x128x128xf32, #tpu.memory_space<vmem>> -> memref<1x128x128xf32, #tpu.memory_space<vmem>>
      %dma_start3A_257 = tpu.memref_squeeze %dma_start3A_256 : memref<1x128x128xf32, #tpu.memory_space<vmem>> -> memref<128x128xf32, #tpu.memory_space<vmem>>
      tpu.enqueue_dma source(%dma_start3A_257 : memref<128x128xf32, #tpu.memory_space<vmem>>) target(%dma_start3A_253 : memref<128x128xf32, #tpu.memory_space<hbm>>) target_semaphore(%arg16 : memref<!tpu.dma_semaphore, #tpu.memory_space<semaphore_mem>>)
      %add3A_258 = arith.constant 2 : i32
      %add3A_259 = arith.addi %add3A_230, %add3A_258 : i32
      %lt3A_260 = arith.constant 50 : i32
      %lt3A_261 = arith.cmpi slt, %add3A_259, %lt3A_260 : i32
      %convert_element_type3A_262 = arith.extui %lt3A_261 : i1 to i32
      %cond3A_263 = arith.constant 0 : i32
      %cond3A_264 = arith.cmpi ne, %convert_element_type3A_262, %cond3A_263 : i32
      scf.if %cond3A_264 {
        %ge3A = arith.constant 5 : i32
        %ge3A_266 = arith.cmpi sge, %add3A_259, %ge3A : i32
        %convert_element_type3A_267 = arith.extui %ge3A_266 : i1 to i32
        %cond3A_268 = arith.constant 0 : i32
        %cond3A_269 = arith.cmpi ne, %convert_element_type3A_267, %cond3A_268 : i32
        scf.if %cond3A_269 {
          %sub3A = arith.constant 5 : i32
          %sub3A_281 = arith.subi %add3A_259, %sub3A : i32
          %mul3A_282 = arith.constant 128 : i32
          %mul3A_283 = arith.muli %sub3A_281, %mul3A_282 : i32
          %add3A_284 = arith.addi %mul3A_2, %mul3A_283 : i32
          %dma_wait3A_285 = arith.constant 1 : i32
          %dma_wait3A_286 = arith.constant 0 : i32
          %dma_wait3A_287 = arith.constant 0 : i32
          %dma_wait3A_288 = tpu.memref_slice %arg6[%dma_wait3A_285, %dma_wait3A_286, %dma_wait3A_287] : memref<5x128x128xf32, #tpu.memory_space<vmem>> -> memref<1x128x128xf32, #tpu.memory_space<vmem>>
          %dma_wait3A_289 = tpu.memref_squeeze %dma_wait3A_288 : memref<1x128x128xf32, #tpu.memory_space<vmem>> -> memref<128x128xf32, #tpu.memory_space<vmem>>
          %dma_wait3A_290 = arith.constant 0 : i32
          %dma_wait3A_291 = tpu.memref_slice %arg4[%add3A_284, %dma_wait3A_290] : memref<204800x128xf32, #tpu.memory_space<hbm>> -> memref<128x128xf32, #tpu.memory_space<hbm>>
          %dma_wait3A_292 = arith.constant 0 : i32
          %dma_wait3A_293 = tpu.memref_slice %arg4[%add3A_284, %dma_wait3A_292] : memref<204800x128xf32, #tpu.memory_space<hbm>> -> memref<128x128xf32, #tpu.memory_space<hbm>>
          %dma_wait3A_294 = arith.constant 0 : i32
          %dma_wait3A_295 = arith.constant 0 : i32
          %dma_wait3A_296 = tpu.memref_slice %arg6[%dma_wait3A_285, %dma_wait3A_294, %dma_wait3A_295] : memref<5x128x128xf32, #tpu.memory_space<vmem>> -> memref<1x128x128xf32, #tpu.memory_space<vmem>>
          %dma_wait3A_297 = tpu.memref_squeeze %dma_wait3A_296 : memref<1x128x128xf32, #tpu.memory_space<vmem>> -> memref<128x128xf32, #tpu.memory_space<vmem>>
          tpu.wait_dma2 semaphore(%arg13 : memref<!tpu.dma_semaphore, #tpu.memory_space<semaphore_mem>>) src(%dma_wait3A_297 : memref<128x128xf32, #tpu.memory_space<vmem>>) dst(%dma_wait3A_293 : memref<128x128xf32, #tpu.memory_space<hbm>>)
        } else {
        }
        %dma_start3A_270 = arith.constant 1 : i32
        %dma_start3A_271 = arith.constant 0 : i32
        %dma_start3A_272 = arith.constant 0 : i32
        %dma_start3A_273 = tpu.memref_slice %arg6[%dma_start3A_270, %dma_start3A_271, %dma_start3A_272] : memref<5x128x128xf32, #tpu.memory_space<vmem>> -> memref<1x128x128xf32, #tpu.memory_space<vmem>>
        %dma_start3A_274 = tpu.memref_squeeze %dma_start3A_273 : memref<1x128x128xf32, #tpu.memory_space<vmem>> -> memref<128x128xf32, #tpu.memory_space<vmem>>
        %dma_start3A_275 = arith.constant 0 : i32
        %dma_start3A_276 = tpu.memref_slice %arg5[%add3A_259, %dma_start3A_275] : memref<50x128xi32, #tpu.memory_space<vmem>> -> memref<1x128xi32, #tpu.memory_space<vmem>>
        %dma_start3A_277 = tpu.memref_squeeze %dma_start3A_276 : memref<1x128xi32, #tpu.memory_space<vmem>> -> memref<128xi32, #tpu.memory_space<vmem>>
        %dma_start3A_278 = arith.constant 0 : i32
        %dma_start3A_279 = arith.constant 0 : i32
        %dma_start3A_280 = tpu.memref_slice %arg3[%dma_start3A_278, %dma_start3A_279] : memref<100000x128xf32, #tpu.memory_space<hbm>> -> memref<100000x128xf32, #tpu.memory_space<hbm>>
        tpu.enqueue_indirect_dma source(%dma_start3A_280 : memref<100000x128xf32, #tpu.memory_space<hbm>>) target(%dma_start3A_274 : memref<128x128xf32, #tpu.memory_space<vmem>>) offsets(%dma_start3A_277 : memref<128xi32, #tpu.memory_space<vmem>>) semaphore(%arg8 : memref<!tpu.dma_semaphore, #tpu.memory_space<semaphore_mem>>)
      } else {
      }
      %scan3A_265 = arith.constant 0 : i32
      scf.yield %scan3A_265 : i32
    }
    %scan3A_31 = arith.constant 10 : i32
    %add3A_32 = arith.constant 6016 : i32
    %add3A_33 = arith.addi %mul3A_2, %add3A_32 : i32
    %dma_wait3A = arith.constant 2 : i32
    %dma_wait3A_34 = arith.constant 0 : i32
    %dma_wait3A_35 = arith.constant 0 : i32
    %dma_wait3A_36 = tpu.memref_slice %arg6[%dma_wait3A, %dma_wait3A_34, %dma_wait3A_35] : memref<5x128x128xf32, #tpu.memory_space<vmem>> -> memref<1x128x128xf32, #tpu.memory_space<vmem>>
    %dma_wait3A_37 = tpu.memref_squeeze %dma_wait3A_36 : memref<1x128x128xf32, #tpu.memory_space<vmem>> -> memref<128x128xf32, #tpu.memory_space<vmem>>
    %dma_wait3A_38 = arith.constant 0 : i32
    %dma_wait3A_39 = tpu.memref_slice %arg4[%add3A_33, %dma_wait3A_38] : memref<204800x128xf32, #tpu.memory_space<hbm>> -> memref<128x128xf32, #tpu.memory_space<hbm>>
    %dma_wait3A_40 = arith.constant 0 : i32
    %dma_wait3A_41 = tpu.memref_slice %arg4[%add3A_33, %dma_wait3A_40] : memref<204800x128xf32, #tpu.memory_space<hbm>> -> memref<128x128xf32, #tpu.memory_space<hbm>>
    %dma_wait3A_42 = arith.constant 0 : i32
    %dma_wait3A_43 = arith.constant 0 : i32
    %dma_wait3A_44 = tpu.memref_slice %arg6[%dma_wait3A, %dma_wait3A_42, %dma_wait3A_43] : memref<5x128x128xf32, #tpu.memory_space<vmem>> -> memref<1x128x128xf32, #tpu.memory_space<vmem>>
    %dma_wait3A_45 = tpu.memref_squeeze %dma_wait3A_44 : memref<1x128x128xf32, #tpu.memory_space<vmem>> -> memref<128x128xf32, #tpu.memory_space<vmem>>
    tpu.wait_dma2 semaphore(%arg14 : memref<!tpu.dma_semaphore, #tpu.memory_space<semaphore_mem>>) src(%dma_wait3A_45 : memref<128x128xf32, #tpu.memory_space<vmem>>) dst(%dma_wait3A_41 : memref<128x128xf32, #tpu.memory_space<hbm>>)
    %add3A_46 = arith.constant 6144 : i32
    %add3A_47 = arith.addi %mul3A_2, %add3A_46 : i32
    %dma_wait3A_48 = arith.constant 3 : i32
    %dma_wait3A_49 = arith.constant 0 : i32
    %dma_wait3A_50 = arith.constant 0 : i32
    %dma_wait3A_51 = tpu.memref_slice %arg6[%dma_wait3A_48, %dma_wait3A_49, %dma_wait3A_50] : memref<5x128x128xf32, #tpu.memory_space<vmem>> -> memref<1x128x128xf32, #tpu.memory_space<vmem>>
    %dma_wait3A_52 = tpu.memref_squeeze %dma_wait3A_51 : memref<1x128x128xf32, #tpu.memory_space<vmem>> -> memref<128x128xf32, #tpu.memory_space<vmem>>
    %dma_wait3A_53 = arith.constant 0 : i32
    %dma_wait3A_54 = tpu.memref_slice %arg4[%add3A_47, %dma_wait3A_53] : memref<204800x128xf32, #tpu.memory_space<hbm>> -> memref<128x128xf32, #tpu.memory_space<hbm>>
    %dma_wait3A_55 = arith.constant 0 : i32
    %dma_wait3A_56 = tpu.memref_slice %arg4[%add3A_47, %dma_wait3A_55] : memref<204800x128xf32, #tpu.memory_space<hbm>> -> memref<128x128xf32, #tpu.memory_space<hbm>>
    %dma_wait3A_57 = arith.constant 0 : i32
    %dma_wait3A_58 = arith.constant 0 : i32
    %dma_wait3A_59 = tpu.memref_slice %arg6[%dma_wait3A_48, %dma_wait3A_57, %dma_wait3A_58] : memref<5x128x128xf32, #tpu.memory_space<vmem>> -> memref<1x128x128xf32, #tpu.memory_space<vmem>>
    %dma_wait3A_60 = tpu.memref_squeeze %dma_wait3A_59 : memref<1x128x128xf32, #tpu.memory_space<vmem>> -> memref<128x128xf32, #tpu.memory_space<vmem>>
    tpu.wait_dma2 semaphore(%arg15 : memref<!tpu.dma_semaphore, #tpu.memory_space<semaphore_mem>>) src(%dma_wait3A_60 : memref<128x128xf32, #tpu.memory_space<vmem>>) dst(%dma_wait3A_56 : memref<128x128xf32, #tpu.memory_space<hbm>>)
    %add3A_61 = arith.constant 6272 : i32
    %add3A_62 = arith.addi %mul3A_2, %add3A_61 : i32
    %dma_wait3A_63 = arith.constant 4 : i32
    %dma_wait3A_64 = arith.constant 0 : i32
    %dma_wait3A_65 = arith.constant 0 : i32
    %dma_wait3A_66 = tpu.memref_slice %arg6[%dma_wait3A_63, %dma_wait3A_64, %dma_wait3A_65] : memref<5x128x128xf32, #tpu.memory_space<vmem>> -> memref<1x128x128xf32, #tpu.memory_space<vmem>>
    %dma_wait3A_67 = tpu.memref_squeeze %dma_wait3A_66 : memref<1x128x128xf32, #tpu.memory_space<vmem>> -> memref<128x128xf32, #tpu.memory_space<vmem>>
    %dma_wait3A_68 = arith.constant 0 : i32
    %dma_wait3A_69 = tpu.memref_slice %arg4[%add3A_62, %dma_wait3A_68] : memref<204800x128xf32, #tpu.memory_space<hbm>> -> memref<128x128xf32, #tpu.memory_space<hbm>>
    %dma_wait3A_70 = arith.constant 0 : i32
    %dma_wait3A_71 = tpu.memref_slice %arg4[%add3A_62, %dma_wait3A_70] : memref<204800x128xf32, #tpu.memory_space<hbm>> -> memref<128x128xf32, #tpu.memory_space<hbm>>
    %dma_wait3A_72 = arith.constant 0 : i32
    %dma_wait3A_73 = arith.constant 0 : i32
    %dma_wait3A_74 = tpu.memref_slice %arg6[%dma_wait3A_63, %dma_wait3A_72, %dma_wait3A_73] : memref<5x128x128xf32, #tpu.memory_space<vmem>> -> memref<1x128x128xf32, #tpu.memory_space<vmem>>
    %dma_wait3A_75 = tpu.memref_squeeze %dma_wait3A_74 : memref<1x128x128xf32, #tpu.memory_space<vmem>> -> memref<128x128xf32, #tpu.memory_space<vmem>>
    tpu.wait_dma2 semaphore(%arg16 : memref<!tpu.dma_semaphore, #tpu.memory_space<semaphore_mem>>) src(%dma_wait3A_75 : memref<128x128xf32, #tpu.memory_space<vmem>>) dst(%dma_wait3A_71 : memref<128x128xf32, #tpu.memory_space<hbm>>)
    return
  }
}

</mosaic_0001>

<sc_bundles>
// kernel: kernel.3.cloned.1.call-start
scs
__scs_entry_jumppad:
0x0: {  	(pc) =	sbr.rel $0x88, $3  }
0x1: {  	(tag) =	ssettag $0x0;
	lr =	simm.s32 $0x1  }
0x2: {  	[smem:$0x3F9F] =	sst lr;
	_ =	strace $0xD0000000  }
0x3: {  	_ = 	snop  }
0x4: {  	_ = 	snop  }
0x5: {  	_ = 	snop  }
0x6: {  	_ = 	snop  }
0x7: {  	_ = 	snop  }
__scs_overlays_trampoline_lowered:
0x8: {  	[smem:$0x3FAE] =	sst s0  }
0x9: {  	[smem:$0x3FAF] =	sst s1  }
0xa: {  	[smem:$0x3FB0] =	sst s2  }
0xb: {  	[smem:$0x3FB1] =	sst s3  }
0xc: {  	[smem:$0x3FB2] =	sst s4  }
0xd: {  	[smem:$0x3FB3] =	sst s5  }
0xe: {  	[smem:$0x3FB4] =	sst s6  }
0xf: {  	[smem:$0x3FB5] =	sst s7  }
0x10: {  	[smem:$0x3FB6] =	sst s8  }
0x11: {  	[smem:$0x3FB7] =	sst s9;
	s0 =	simm.s32 @!p0 $0x0  }
0x12: {  	s1 =	sld [smem:$0x3F9D];
	s0 =	simm.s32 @p0 $0x1  }
0x13: {  	[smem:$0x3FB8] =	sst s0;
	s0 =	simm.s32 @!p1 $0x0  }
0x14: {  	s2 =	sld [smem:$0x3F9C];
	s0 =	simm.s32 @p1 $0x1  }
0x15: {  	[smem:$0x3FB9] =	sst s0;
	s0 =	simm.s32 @!p2 $0x0  }
0x16: {  	s3 =	sld [smem:$0x3FDB];
	s0 =	simm.s32 @p2 $0x1  }
0x17: {  	s4 =	simm.s32 $0x1BF5;
	[smem:$0x3FBB] =	sst s0  }
0x18: {  	s0 =	sld [smem:$0x3F9E];
	_ =	swait.ge [sflag:s4], $0x0  }
0x19: {  	s7 =	sld [smem:$0x3F9F]  }
0x1a: {  	s8 =	sadd.s32 $0xFFFFE003, lr  }
0x1b: {  	s9 =	sadd.s32 $0xFFFFFEF7, lr;
	s5 =	simm.s32 $0xFFFFFFFF;
	p2 =	slt.u32 s8, $0xFFFFF086  }
0x1c: {  	p1 =	slt.u32 s9, $0xF7A;
	s5 =	simm.s32 @!p2 $0x0  }
0x1d: {  	s5 =	simm.s32 @p1 $0x1;
	p0 =	seq.s32 s7, s2  }
0x1e: {  	s7 =	smul.u32 @!p0 $0xF7A, s2;
	p2 =	seq.s32 @!p0 s5, $0x0  }
0x1f: {  	s9 =	smul.u32 $0xF7A, s1;
	s8 =	simm.s32 @!p0 $0x1BF5;
	p2 =	por !p2, p0  }
0x20: {  	[sflag:s8] =	ssyncset.s32 @!p0 $0xFFFFF086;
	s6 =	sadd.s32 @!p0 s3, s7;
	s7 =	simm.s32 @!p0 $0x108  }
0x21: {  	s3 =	sadd.s32 s3, s9;
	s6 =	sadd.s32 @!p0 $0x88, s6;
	s7 =	simm.s32 @p2 $0x1082  }
0x22: {  	[simem:s7], [sflag:s8] =	dma.local @!p0 [hbm:s6], $0xF7A  }
0x23: {  	s9 =	sor.u32 $0xD0000000, s2;
	s6 =	simm.s32 $0x108;
	_ =	swait.ge @!p0 [sflag:s8], $0x0  }
0x24: {  	s3 =	sadd.s32 $0x88, s3;
	s6 =	simm.s32 @!p1 $0x1082;
	[sflag:s4] =	ssyncset.s32 $0xFFFFF086  }
0x25: {  	[simem:s6], [sflag:s4] =	dma.local [hbm:s3], $0xF7A  }
0x26: {  	[smem:$0x3F9F] =	sst s1;
	(tag) =	ssettag s2;
	_ =	strace s9  }
0x27: {  	s1 =	sld [smem:$0x3FAF]  }
0x28: {  	s2 =	sld [smem:$0x3FB0]  }
0x29: {  	s4 =	sld [smem:$0x3FB2]  }
0x2a: {  	p0 =	seq.s32 s5, $0x0;
	s5 =	sld [smem:$0x3FB3]  }
0x2b: {  	s6 =	sld [smem:$0x3FB4]  }
0x2c: {  	s7 =	sld [smem:$0x3FB5]  }
0x2d: {  	s3 =	simm.s32 $0x108;
	s8 =	sld [smem:$0x3FB6]  }
0x2e: {  	s3 =	simm.s32 @!p0 $0x1082;
	s9 =	sld [smem:$0x3FB7]  }
0x2f: {  	lr =	sadd.s32 s0, s3;
	s0 =	sld [smem:$0x3FAE]  }
0x30: {  	s3 =	sld [smem:$0x3FB1]  }
0x31: {  	[smem:$0x3FBA] =	sst s10  }
0x32: {  	s10 =	sld [smem:$0x3FB8];
	_ =	sdelay $0x3  }
0x33: {  	p0 =	seq.s32 s10, $0x1;
	s10 =	sld [smem:$0x3FBA];
	_ =	sdelay $0x3  }
0x34: {  	[smem:$0x3FBA] =	sst s10  }
0x35: {  	s10 =	sld [smem:$0x3FB9];
	_ =	sdelay $0x3  }
0x36: {  	p1 =	seq.s32 s10, $0x1;
	s10 =	sld [smem:$0x3FBA];
	_ =	sdelay $0x3  }
0x37: {  	[smem:$0x3FBA] =	sst s10  }
0x38: {  	s10 =	sld [smem:$0x3FBB]  }
0x39: {  	_ = 	snop;
	(pc) =	sbr.ind lr, $3  }
0x3a: {  	_ = 	snop  }
0x3b: {  	_ = 	snop  }
0x3c: {  	p2 =	seq.s32 s10, $0x1;
	s10 =	sld [smem:$0x3FBA]  }
0x3d: {  	_ =	shalt  }
0x3e: {  	_ =	shalt  }
0x3f: {  	_ =	shalt  }
0x40: {  	_ =	shalt  }
0x41: {  	_ =	shalt  }
0x42: {  	_ =	shalt  }
0x43: {  	_ =	shalt  }
0x44: {  	_ =	shalt  }
0x45: {  	_ =	shalt  }
0x46: {  	_ =	shalt  }
0x47: {  	_ =	shalt  }
0x48: {  	_ =	shalt  }
0x49: {  	_ =	shalt  }
0x4a: {  	_ =	shalt  }
0x4b: {  	_ =	shalt  }
0x4c: {  	_ =	shalt  }
0x4d: {  	_ =	shalt  }
0x4e: {  	_ =	shalt  }
0x4f: {  	_ =	shalt  }
0x50: {  	_ =	shalt  }
0x51: {  	_ =	shalt  }
0x52: {  	_ =	shalt  }
0x53: {  	_ =	shalt  }
0x54: {  	_ =	shalt  }
0x55: {  	_ =	shalt  }
0x56: {  	_ =	shalt  }
0x57: {  	_ =	shalt  }
0x58: {  	_ =	shalt  }
0x59: {  	_ =	shalt  }
0x5a: {  	_ =	shalt  }
0x5b: {  	_ =	shalt  }
0x5c: {  	_ =	shalt  }
0x5d: {  	_ =	shalt  }
0x5e: {  	_ =	shalt  }
0x5f: {  	_ =	shalt  }
0x60: {  	_ =	shalt  }
0x61: {  	_ =	shalt  }
0x62: {  	_ =	shalt  }
0x63: {  	_ =	shalt  }
0x64: {  	_ =	shalt  }
0x65: {  	_ =	shalt  }
0x66: {  	_ =	shalt  }
0x67: {  	_ =	shalt  }
0x68: {  	_ =	shalt  }
0x69: {  	_ =	shalt  }
0x6a: {  	_ =	shalt  }
0x6b: {  	_ =	shalt  }
0x6c: {  	_ =	shalt  }
0x6d: {  	_ =	shalt  }
0x6e: {  	_ =	shalt  }
0x6f: {  	_ =	shalt  }
0x70: {  	_ =	shalt  }
0x71: {  	_ =	shalt  }
0x72: {  	_ =	shalt  }
0x73: {  	_ =	shalt  }
0x74: {  	_ =	shalt  }
0x75: {  	_ =	shalt  }
0x76: {  	_ =	shalt  }
0x77: {  	_ =	shalt  }
0x78: {  	_ =	shalt  }
0x79: {  	_ =	shalt  }
0x7a: {  	_ =	shalt  }
0x7b: {  	_ =	shalt  }
0x7c: {  	_ =	shalt  }
0x7d: {  	_ =	shalt  }
0x7e: {  	_ =	shalt  }
0x7f: {  	_ =	shalt  }
0x80: {  	_ =	shalt  }
0x81: {  	_ =	shalt  }
0x82: {  	_ =	shalt  }
0x83: {  	_ =	shalt  }
0x84: {  	_ =	shalt  }
0x85: {  	_ =	shalt  }
0x86: {  	_ =	shalt  }
0x87: {  	_ =	shalt  }
.Lfunc_end0:
.L_simem_size_0:
called_computation_lowered:
.L_overlay_start_0:
0x88: {  	s2 =	sld [smem:$0x3FD9]  }
0x89: {  	s3 =	sld [smem:$0x3FFE];
	_ =	sdelay $0x1  }
0x8a: {  	s1 =	srdreg.scid  }
0x8b: {  	s0 =	sand.u32 $0x1, s1  }
0x8c: {  	s17 =	sshll.u32 s0, $0xA;
	s2 =	sadd.s32 s3, s2  }
0x8d: {  	s2 =	sadd.s32 s2, s17  }
0x8e: {  	[smem:$0x3FC6] =	sst s2  }
0x8f: {  	_ = 	snop  }
0x90: {  	s2 =	sld [smem:$0x3FC8]  }
0x91: {  	s18 =	sld [smem:$0x3FD0];
	(tm) =	ssettm $0x1  }
0x92: {  	s4 =	sld [smem:$0x3FFB];
	_ =	sdelay $0x3  }
0x93: {  	_ =	strace s4  }
0x94: {  	s4 =	sld [smem:$0x3FFC];
	_ =	sdelay $0x3  }
0x95: {  	_ =	strace s4  }
0x96: {  	s4 =	sld [smem:$0x3FFD];
	_ =	sdelay $0x3  }
0x97: {  	_ =	strace s4  }
0x98: {  	_ =	strace $0x8FFFFFFF  }
0x99: {  	s19 =	sld [smem:$0x3FDB];
	_ =	sdelay $0x1  }
0x9a: {  	s5 =	simm.s32 $_scs_section_size  }
0x9b: {  	s6 =	simm.s32 $_size__tile_overlayer_lowered;
	s7 =	simm.s32 $_tile_overlayer_lowered  }
0x9c: {  	s22 =	simm.s32 $0x1BFF;
	s21 =	sshll.u32 s7, $0x1;
	s4 =	sadd.s32 s5, s19  }
0x9d: {  	s8 =	simm.s32 $0x0;
	s20 =	sshll.u32 s6, $0x1;
	s6 =	sadd.s32 s21, s4  }
0x9e: {  	[timem:s8], [sflag:s22] =	dma.local [hbm:s6], s20  }
0x9f: {  	_ =	swait.ge [sflag:s22], s20  }
0xa0: {  	s5 =	ssub.s32 $0x0, s20;
	[sflag:s22] =	ssyncset.done $0x0  }
0xa1: {  	[sflag:s22] =	ssyncadd.s32 s5;
	_ =	sdelay $0x1  }
0xa2: {  	s23 =	simm.s32 $0x1B8B  }
0xa3: {  	_ =	swait.ge [sflag:s23], $0x1  }
0xa4: {  	[sflag:s23] =	ssyncset.done $0x0  }
0xa5: {  	s25 =	simm.s32 $0x1B8E;
	s24 =	sld [smem:$0x3FFE];
	[sflag:s23] =	ssyncadd.s32 $0xFFFFFFFF  }
0xa6: {  	s26 =	simm.s32 $execute0_lowered;
	[smem:$0x3FD2] =	sst s25  }
0xa7: {  	s6 =	sshll.u32 s26, $0x1;
	_ =	strace $0x80000046;
	[dreg:$0x1] =	wrdreg $0xFFFFFFFF  }
0xa8: {  	s28 =	simm.s32 $_size_execute0_lowered;
	s4 =	sadd.s32 s4, s6;
	[dreg:$0x0] =	wrdreg $0x0  }
0xa9: {  	s6 =	sshll.u32 s28, $0x1;
	[dreg:$0x2] =	wrdreg s4  }
0xaa: {  	[dreg:$0x3] =	wrdreg s6  }
0xab: {  	[dreg:$0x4] =	wrdreg $0xC0  }
0xac: {  	_ =	task [dreg:s8], $0x5FFFF  }
0xad: {  	[dreg:$0x1] =	wrdreg $0xFFFFFFFF  }
0xae: {  	[dreg:$0x0] =	wrdreg $0x60  }
0xaf: {  	[dreg:$0x2] =	wrdreg s24  }
0xb0: {  	[dreg:$0x3] =	wrdreg s2  }
0xb1: {  	[dreg:$0x4] =	wrdreg s18  }
0xb2: {  	[dreg:$0x5] =	wrdreg $0x9  }
0xb3: {  	_ =	task.clear_ibuf [dreg:s8], $0x6FFFF;
	_ =	strace $0x90000046  }
0xb4: {  	s29 =	simm.s32 $0x9;
	_ =	strace $0x80000048  }
0xb5: {  	_ =	swait.ge [sflag:s29], $0x1  }
0xb6: {  	[sflag:s29] =	ssyncadd.s32 $0xFFFFFFFF  }
0xb7: {  	_ =	strace $0x90000048  }
0xb8: {  	_ =	sfence  }
0xb9: {  	s30 =	sld [smem:$0x0];
	_ =	sdelay $0x2  }
0xba: {  	s31 =	sshll.u32 s1, $0xD;
	s1 =	sshrl.u32 s1, $0x2  }
0xbb: {  	s3 =	sand.u32 $0x4000, s31;
	s1 =	sadd.s32 s1, s30  }
0xbc: {  	s0 =	sor.u32 s3, s0;
	s1 =	sshll.u32 s1, $0x11  }
0xbd: {  	s0 =	sor.u32 s1, s0  }
0xbe: {  	s0 =	sadd.s32 $0x8F2B, s0  }
0xbf: {  	[sflag:s0] =	ssyncadd.remote.s32 $0x1  }
0xc0: {  	_ =	sfence.sel $0xFFFF  }
0xc1: {  	[dreg:$0x0] =	wrdreg $0xFFFFFFFF;
	(pc) =	sbr.abs _section_cstart, $3  }
0xc2: {  	[dreg:$0x1] =	wrdreg $0xFFFFFFFF  }
0xc3: {  	_ =	task.clear_ibuf [dreg:s8], $0x2FFFF;
	_ =	strace $0x9FFFFFFF  }
0xc4: {  	(tm) =	ssettm $0x7FFFFFFF  }
0xc5: {  	_ =	shalt  }
tec
execute0_lowered:
.L_overlay_start_1:
0x0: {  	(tag) =	ssettag $0x1  }
0x1: {  	s0 =	rddreg [dreg:$0x0]  }
0x2: {  	s2 =	rddreg [dreg:$0x1];
	s1 =	srdreg.scid  }
0x3: {  	s9 =	stileid.u32;
	s4 =	rddreg [dreg:$0x2]  }
0x4: {  	s3 =	simm.s32 $0x0;
	s11 =	simm.s32 $0xB;
	s12 =	simm.s32 $0x80  }
0x5: {  	s13 =	simm.s32 $0x1C00;
	s14 =	simm.s32 $0x5C00;
	s16 =	simm.s32 $0x1  }
0x6: {  	s17 =	simm.s32 $0x9C00;
	s18 =	simm.s32 $0x2;
	s19 =	simm.s32 $0xDC00  }
0x7: {  	s20 =	simm.s32 $0x3;
	s21 =	simm.s32 $0x11C00;
	s22 =	simm.s32 $0x4  }
0x8: {  	s28 =	simm.s32 $0x7;
	s29 =	simm.s32 $0x0;
	s6 =	smul.u32 $0x32000, s9  }
0x9: {  	s1 =	sand.u32 $0x1, s1;
	s5 =	sshll.u32 s9, $0x1;
	s9 =	smul.u32 $0x190000, s9  }
0xa: {  	[smem:$0x7FF] =	sst s3;
	s5 =	sor.u32 s1, s5;
	s8 =	smul.u32 $0x19000, s1  }
0xb: {  	_ =	strace $0x80000047;
	s7 =	ssub.s32 $0x2, s1;
	s1 =	smul.u32 $0xC8000, s1  }
0xc: {  	s5 =	smul.u32 $0x1C00, s5;
	s23 =	sshrl.u32 s7, $0x1;
	s6 =	sadd.s32 s6, s4  }
0xd: {  	s7 =	ssub.s32 s7, s23;
	s25 =	sadd.s32 s8, s6;
	s1 =	sadd.s32 s1, s9  }
0xe: {  	s23 =	simm.s32 $0x5;
	s5 =	sshrl.u32 s5, $0x3;
	s26 =	smax.u32 s7, $0x1  }
0xf: {  	s30 =	sadd.s32 $0x10000, s1;
	s31 =	sadd.s32 $0xC000, s1;
	s1 =	sadd.s32 $0x8000, s1  }
0x10: {  	s0 =	sadd.s32 s5, s0;
	[dreg:$0x6] =	wrdreg s26;
	s7 =	sshrl.u32 s30, $0x3  }
.Ltmp0:
0x11: {  	s8 =	sshrl.u32 s31, $0x3;
	s10 =	sshrl.u32 s1, $0x3;
	(pc) =	sbr.rel .LBB2_1-.Ltmp0, $4  }
0x12: {  	s26 =	simm.s32 $0xA;
	s24 =	sadd.s32 $0x400, s0;
	s0 =	sadd.s32 $0x480, s0  }
0x13: {  	s1 =	sadd.s32 s7, s4;
	s9 =	sadd.s32 s8, s4;
	[dreg:$0x4] =	wrdreg s24  }
0x14: {  	s10 =	sadd.s32 s10, s4;
	[dreg:$0x5] =	wrdreg s0;
	s0 =	sadd.s32 $0x800, s25  }
0x15: {  	s24 =	simm.s32 $0x8;
	s25 =	simm.s32 $0x9;
	[dreg:$0x7] =	wrdreg s0  }
.LBB2_4:
0x16: {  	_ =	swait.ge [sflag:s24], $0x4000  }
0x17: {  	[sflag:s24] =	ssyncset.done $0x0  }
0x18: {  	[sflag:s24] =	ssyncadd.s32 $0xFFFFC000  }
0x19: {  	_ =	swait.ge [sflag:s25], $0x4000  }
0x1a: {  	[sflag:s25] =	ssyncset.done $0x0  }
0x1b: {  	[sflag:s25] =	ssyncadd.s32 $0xFFFFC000  }
0x1c: {  	_ =	swait.ge [sflag:s26], $0x4000  }
0x1d: {  	s29 =	sadd.s32 $0x1, s29;
	s0 =	rddreg [dreg:$0x6]  }
0x1e: {  	p0 =	sne.s32 s29, s0  }
.Ltmp1:
0x1f: {  	_ = 	snop;
	(pc) =	sbr.rel @!p0 .LBB2_5-.Ltmp1, $3  }
0x20: {  	_ =	sdelay $0x1  }
0x21: {  	[sflag:s26] =	ssyncset.done $0x0  }
0x22: {  	[sflag:s26] =	ssyncadd.s32 $0xFFFFC000  }
.LBB2_1:
0x23: {  	s0 =	rddreg [dreg:$0x4]  }
0x24: {  	[tilespmem:s3], [sflag:$0xB] =	stream.linear.gather [hbm4b:s0+s3], $0x400, $0x38;
	[tilespmem:$0x15C00] =	vst v63  }
0x25: {  	_ =	swait.ge [sflag:s11], $0x400  }
0x26: {  	[sflag:s11] =	ssyncset.done $0x0  }
0x27: {  	[sflag:s11] =	ssyncadd.s32 $0xFFFFFC00  }
0x28: {  	[tilespmem:s13], [sflag:$0x1] =	stream.indirect.gather [hbm4b:s2+s12], $0x80, s3, s12, $0xb8;
	[tilespmem:$0x15C00] =	vst v63  }
0x29: {  	_ = 	snop  }
0x2a: {  	[tilespmem:s14], [sflag:$0x2] =	stream.indirect.gather [hbm4b:s2+s12], $0x80, s12, s12, $0xb8;
	[tilespmem:$0x15C00] =	vst v63  }
0x2b: {  	s4 =	simm.s32 $0x400;
	s15 =	rddreg [dreg:$0x5]  }
0x2c: {  	[tilespmem:s4], [sflag:$0xB] =	stream.linear.gather [hbm4b:s15+s3], $0x1500, $0x38;
	[tilespmem:$0x15C00] =	vst v63  }
0x2d: {  	s30 =	smov.u32 s10;
	_ =	swait.ge [sflag:s11], $0x1500  }
0x2e: {  	s31 =	smov.u32 s9;
	s8 =	smov.u32 s1;
	[sflag:s11] =	ssyncset.done $0x0  }
0x2f: {  	s15 =	simm.s32 $0x0;
	s7 =	rddreg [dreg:$0x7];
	[sflag:s11] =	ssyncadd.s32 $0xFFFFEB00  }
.LBB2_2:
0x30: {  	_ =	swait.ge [sflag:s16], $0x4000  }
0x31: {  	p0 =	seq.s32 s15, $0x0;
	[sflag:s16] =	ssyncset.done $0x0  }
0x32: {  	s4 =	sadd.s32 $0xFFFFF800, s7;
	s5 =	simm.s32 @!p0 $0x8;
	[sflag:s16] =	ssyncadd.s32 $0xFFFFC000  }
0x33: {  	[hbm4b:s4+s3] =	stream.linear.scatter [tilespmem:s13], [sflag:$0x6], $0x4000, $0x38;
	[tilespmem:$0x15C00] =	vst v63  }
0x34: {  	_ =	swait.ge @!p0 [sflag:s5], $0x4000  }
0x35: {  	s4 =	sshra.s32 s15, $0x2;
	[sflag:s5] =	ssyncset.done @!p0 $0x0  }
0x36: {  	s6 =	sadd.s32 $0x100, s4;
	[sflag:s5] =	ssyncadd.s32 @!p0 $0xFFFFC000  }
0x37: {  	[tilespmem:s17], [sflag:$0x3] =	stream.indirect.gather [hbm4b:s2+s12], $0x80, s6, s12, $0xb8;
	[tilespmem:$0x15C00] =	vst v63  }
0x38: {  	_ =	swait.ge [sflag:s18], $0x4000  }
0x39: {  	[sflag:s18] =	ssyncset.done $0x0  }
0x3a: {  	s5 =	simm.s32 @!p0 $0x9;
	[sflag:s18] =	ssyncadd.s32 $0xFFFFC000  }
0x3b: {  	[hbm4b:s7+s3] =	stream.linear.scatter [tilespmem:s14], [sflag:$0x7], $0x4000, $0x38;
	[tilespmem:$0x15C00] =	vst v63  }
0x3c: {  	_ =	swait.ge @!p0 [sflag:s5], $0x4000  }
0x3d: {  	[sflag:s5] =	ssyncset.done @!p0 $0x0  }
0x3e: {  	s0 =	sadd.s32 $0x180, s4;
	[sflag:s5] =	ssyncadd.s32 @!p0 $0xFFFFC000  }
0x3f: {  	[tilespmem:s19], [sflag:$0x4] =	stream.indirect.gather [hbm4b:s2+s12], $0x80, s0, s12, $0xb8;
	[tilespmem:$0x15C00] =	vst v63  }
0x40: {  	_ =	swait.ge [sflag:s20], $0x4000  }
0x41: {  	[sflag:s20] =	ssyncset.done $0x0  }
0x42: {  	s5 =	simm.s32 @!p0 $0xA;
	[sflag:s20] =	ssyncadd.s32 $0xFFFFC000  }
0x43: {  	[hbm4b:s30+s3] =	stream.linear.scatter [tilespmem:s17], [sflag:$0x8], $0x4000, $0x38;
	[tilespmem:$0x15C00] =	vst v63  }
0x44: {  	_ =	swait.ge @!p0 [sflag:s5], $0x4000  }
0x45: {  	[sflag:s5] =	ssyncset.done @!p0 $0x0  }
0x46: {  	s6 =	sadd.s32 $0x200, s4;
	[sflag:s5] =	ssyncadd.s32 @!p0 $0xFFFFC000  }
0x47: {  	[tilespmem:s21], [sflag:$0x5] =	stream.indirect.gather [hbm4b:s2+s12], $0x80, s6, s12, $0xb8;
	[tilespmem:$0x15C00] =	vst v63  }
0x48: {  	_ =	swait.ge [sflag:s22], $0x4000  }
0x49: {  	p0 =	seq.s32 s15, $0x5A00;
	[sflag:s22] =	ssyncset.done $0x0  }
0x4a: {  	s5 =	simm.s32 @!p0 $0x6;
	[sflag:s22] =	ssyncadd.s32 $0xFFFFC000  }
0x4b: {  	[hbm4b:s31+s3] =	stream.linear.scatter [tilespmem:s19], [sflag:$0x9], $0x4000, $0x38;
	[tilespmem:$0x15C00] =	vst v63  }
0x4c: {  	_ =	swait.ge @!p0 [sflag:s5], $0x4000  }
0x4d: {  	[sflag:s5] =	ssyncset.done @!p0 $0x0  }
0x4e: {  	[sflag:s5] =	ssyncadd.s32 @!p0 $0xFFFFC000;
	s5 =	sshra.s32 @!p0 s15, $0x2  }
0x4f: {  	s6 =	simm.s32 @!p0 $0x80;
	s0 =	simm.s32 @!p0 $0x1C00;
	s5 =	sadd.s32 @!p0 $0x280, s5  }
0x50: {  	[tilespmem:s0], [sflag:$0x1] =	stream.indirect.gather @!p0 [hbm4b:s2+s6], $0x80, s5, s6, $0xb8;
	[tilespmem:$0x15C00] =	vst v63  }
.Ltmp2:
0x51: {  	_ = 	snop;
	(pc) =	sbr.rel @p0 .LBB2_4-.Ltmp2, $4  }
0x52: {  	_ =	swait.ge [sflag:s23], $0x4000  }
0x53: {  	[sflag:s23] =	ssyncset.done $0x0  }
0x54: {  	[sflag:s23] =	ssyncadd.s32 $0xFFFFC000  }
0x55: {  	[hbm4b:s8+s3] =	stream.linear.scatter [tilespmem:s21], [sflag:$0xA], $0x4000, $0x38;
	[tilespmem:$0x15C00] =	vst v63  }
.Ltmp3:
0x56: {  	(pc) =	sbr.rel .LBB2_2-.Ltmp3, $4  }
0x57: {  	_ =	swait.ge [sflag:s28], $0x4000;
	s0 =	sadd.s32 $0x300, s4;
	s15 =	sadd.s32 $0xA00, s15  }
0x58: {  	s7 =	sadd.s32 $0x2800, s7;
	s8 =	sadd.s32 $0x2800, s8;
	[sflag:s28] =	ssyncset.done $0x0  }
0x59: {  	s31 =	sadd.s32 $0x2800, s31;
	s30 =	sadd.s32 $0x2800, s30;
	[sflag:s28] =	ssyncadd.s32 $0xFFFFC000  }
0x5a: {  	[tilespmem:s14], [sflag:$0x2] =	stream.indirect.gather [hbm4b:s2+s12], $0x80, s0, s12, $0xb8;
	[tilespmem:$0x15C00] =	vst v63  }
.LBB2_5:
0x5b: {  	_ =	sfence.sel $0x180000  }
0x5c: {  	[bflag:$0x0] =	sbarrier.arrive $0xFFFF  }
0x5d: {  	_ =	strace $0x90000047  }
0x5e: {  	s0 =	stileid.u32;
	[bflag:$0x2] =	sbarrier.arrive $0xFFFF  }
0x5f: {  	p0 =	sne.s32 s0, $0x0;
	s0 =	rddreg [dreg:$0x3]  }
0x60: {  	s0 =	sadd.s32 @!p0 $0x100000, s0  }
0x61: {  	[sflag:s0] =	ssyncadd.tile.s32 @!p0 $0x1;
	_ =	shalt  }
.Lfunc_end2:
_tile_overlayer_lowered:
.L_overlay_start_2:
0x62: {  	(tag) =	ssettag $0x2  }
0x63: {  	s0 =	rddreg [dreg:$0x0];
	s2 =	stileid.u32  }
0x64: {  	s1 =	rddreg [dreg:$0x1];
	p0 =	sne.s32 s2, $0x0  }
0x65: {  	s3 =	rddreg [dreg:$0x2];
	[bflag:$0x3] =	sbarrier.arrive $0xFFFF;
	s2 =	simm.s32 @!p0 $0x1C0B  }
0x66: {  	[timem:s3], [sflag:s2] =	dma.local @!p0 [hbm:s0], s1  }
0x67: {  	s0 =	simm.s32 @!p0 $0xB  }
0x68: {  	_ =	swait.ge @!p0 [sflag:s0], s1  }
0x69: {  	s1 =	ssub.s32 @!p0 $0x0, s1;
	[sflag:s0] =	ssyncset.done @!p0 $0x0  }
0x6a: {  	[sflag:s0] =	ssyncadd.s32 @!p0 s1  }
0x6b: {  	[bflag:$0x3] =	sbarrier.arrive $0xFFFF  }
0x6c: {  	_ =	shalt  }

</sc_bundles>
